<compile_context>
chip_gen: v7x
topology: tpu7x:2x2x1
jax: 0.10.2.dev20260603
libtpu: 0.0.44.dev20260713+nightly
codegen_flags: <defaults>
</compile_context>

<pallas_src>
import functools

import jax
import jax.numpy as jnp
from jax import lax
from jax.experimental import pallas as pl
from jax.experimental.pallas import tpu as pltpu
from jax.experimental.pallas import tpu_sc as plsc


def _make_argmax_body(row_stride, cols, sub):
    del cols, sub

    def body(x_ref, o_ref):
        v = x_ref[...]
        m = jnp.max(v, axis=1, keepdims=True)
        col = lax.broadcasted_iota(jnp.int32, v.shape, 1)
        am = jnp.min(jnp.where(v == m, col, jnp.int32(2**30)), axis=1)
        o_ref[0, 0, :] = am[0, :] * row_stride + am[1, :]

    return body


def _tc_argmax(st, block_cols, row_stride):
    two, cols, batch = st.shape
    grid = batch // block_cols
    out = pl.pallas_call(
        _make_argmax_body(row_stride, cols, 8),
        grid=(grid,),
        in_specs=[pl.BlockSpec((two, cols, block_cols), lambda i: (0, 0, i))],
        out_specs=pl.BlockSpec((1, 1, block_cols), lambda i: (i, 0, 0)),
        out_shape=jax.ShapeDtypeStruct((grid, 1, block_cols), jnp.int32),
    )(st)
    return out.reshape(batch)


_CHUNK = 128


def _make_sc_gather(batch, act_stride):
    info = plsc.get_sparse_core_info()
    nc, ns, L = info.num_cores, info.num_subcores, info.num_lanes
    nw = nc * ns
    bpw = batch // nw
    nchunk = bpw // _CHUNK
    mesh = plsc.VectorSubcoreMesh(core_axis_name="c", subcore_axis_name="s")

    @functools.partial(
        pl.kernel,
        mesh=mesh,
        out_type=jax.ShapeDtypeStruct((batch,), jnp.float32),
        scratch_types=[
            pltpu.VMEM((nchunk, _CHUNK), jnp.int32),
            pltpu.VMEM((nchunk, _CHUNK), jnp.int32),
            pltpu.VMEM((nchunk, _CHUNK), jnp.float32),
            pltpu.SemaphoreType.DMA,
        ],
        compiler_params=pltpu.CompilerParams(use_tc_tiling_on_sc=False),
    )
    def sc_gather(comb_hbm, a_hbm, table_hbm, out_hbm, idx_v, a_v, out_v, sem):
        wid = lax.axis_index("s") * nc + lax.axis_index("c")
        base = wid * bpw
        for c in range(nchunk):
            pltpu.sync_copy(comb_hbm.at[pl.ds(base + c * _CHUNK, _CHUNK)], idx_v.at[c])
            pltpu.sync_copy(a_hbm.at[pl.ds(base + c * _CHUNK, _CHUNK)], a_v.at[c])
        for c in range(nchunk):
            for o in range(_CHUNK // L):
                sl = pl.ds(o * L, L)
                idx_v[c, sl] = idx_v[c, sl] + a_v[c, sl] * act_stride
        copies = [
            pltpu.async_copy(table_hbm.at[idx_v.at[c]], out_v.at[c], sem)
            for c in range(nchunk)
        ]
        for cp in copies:
            cp.wait()
        for c in range(nchunk):
            pltpu.sync_copy(out_v.at[c], out_hbm.at[pl.ds(base + c * _CHUNK, _CHUNK)])

    return sc_gather


def kernel(s, a, env_size, table):
    batch = s.shape[0]
    e = s.shape[2]
    acts = table.shape[2]
    st = s.transpose(1, 2, 0)
    comb = _tc_argmax(st, 1024, e * acts)
    a32 = a.astype(jnp.int32)
    tflat = table.transpose(0, 2, 1).reshape(-1)
    sc_gather = _make_sc_gather(batch, e)
    return sc_gather(comb, a32, tflat)

# --- scband reference (transcript-rebuilt; emitter-appended) ---
"""Pipeline reference for scband-tabular-q-31284541784672 (READ-ONLY COPY).

The authoritative reference and input builder live on the scoring server;
editing this copy changes nothing except your own understanding.
"""

import jax, jax.numpy as jnp
import numpy as np

ENV_SIZE = 1000
BATCH = 16384

def setup_inputs(seed: int = 0) -> dict:
    key = jax.random.key(seed)
    k1, k2, k3 = jax.random.split(key, 3)
    s = jax.random.normal(k1, (BATCH, 2, ENV_SIZE), dtype=jnp.float32)
    a = jax.random.randint(k2, (BATCH,), 0, 4, dtype=jnp.int64)
    # Learned parameter: Q-table of shape (env_size, env_size, 4).
    # (Original init is zeros; small random values used so outputs are non-trivial.)
    table = jax.random.normal(k3, (ENV_SIZE, ENV_SIZE, 4), dtype=jnp.float32) * 0.01
    return {"s": s, "a": a, "env_size": ENV_SIZE, "table": table}

def reference(s, a, env_size, table):
    # Faithful translation of TabularQ.apply:
    # per-example: x, y = s_i.argmax(axis=1) with s_i of shape [2, env_size];
    # vmapped over batch -> argmax over last axis of s[B,2,env_size].
    idx = jnp.argmax(s, axis=2)  # [B, 2]
    x = idx[:, 0]
    y = idx[:, 1]
    a_i = a.astype(jnp.int32)
    out = table[x, y, a_i]  # gather, [B]
    return out

if __name__ == "__main__":
    import jax
    _d = setup_inputs()
    print(jax.jit(kernel)(*tuple(_d.values())))

</pallas_src>

<mosaic_0001>
#map = affine_map<(d0, d1) -> (0)>
module attributes {stable_mosaic.version = 14 : i64} {
  func.func @sc_gather(%arg0: i32, %arg1: i32, %arg2: memref<16384xi32, #tpu.memory_space<hbm>>, %arg3: memref<16384xi32, #tpu.memory_space<hbm>>, %arg4: memref<4000000xf32, #tpu.memory_space<hbm>>, %arg5: memref<16384xf32, #tpu.memory_space<hbm>>, %arg6: memref<4x128xi32, #tpu.memory_space<vmem>>, %arg7: memref<4x128xi32, #tpu.memory_space<vmem>>, %arg8: memref<4x128xf32, #tpu.memory_space<vmem>>, %arg9: memref<!tpu.dma_semaphore, #tpu.memory_space<semaphore_mem>>) attributes {dimension_semantics = [#tpu.dimension_semantics<core_parallel>, #tpu.dimension_semantics<subcore_parallel>], iteration_bounds = array<i64: 2, 16>, scalar_prefetch = 0 : i64, scratch_operands = 4 : i64, tpu.core_type = #tpu.core_type<sc_vector_subcore>, window_params = [{transform_indices = #map}, {transform_indices = #map}, {transform_indices = #map}, {transform_indices = #map}]} {
    %mul3A = arith.constant 2 : i32
    %mul3A_0 = arith.muli %arg1, %mul3A : i32
    %add3A = arith.addi %mul3A_0, %arg0 : i32
    %mul3A_1 = arith.constant 512 : i32
    %mul3A_2 = arith.muli %add3A, %mul3A_1 : i32
    %add3A_3 = arith.constant 0 : i32
    %add3A_4 = arith.addi %mul3A_2, %add3A_3 : i32
    %run_scoped3A = arith.constant 0 : i32
    "tpu.region"() ({
      %run_scoped3A_754 = tpu.sem_alloc : memref<!tpu.dma_semaphore, #tpu.memory_space<semaphore_mem>>
      %dma_start3A_755 = arith.constant 0 : i32
      %dma_start3A_756 = tpu.memref_slice %arg6[%run_scoped3A, %dma_start3A_755] : memref<4x128xi32, #tpu.memory_space<vmem>> -> memref<1x128xi32, #tpu.memory_space<vmem>>
      %dma_start3A_757 = tpu.memref_squeeze %dma_start3A_756 : memref<1x128xi32, #tpu.memory_space<vmem>> -> memref<128xi32, #tpu.memory_space<vmem>>
      %dma_start3A_758 = tpu.memref_slice %arg2[%add3A_4] : memref<16384xi32, #tpu.memory_space<hbm>> -> memref<128xi32, #tpu.memory_space<hbm>>
      %dma_start3A_759 = arith.constant 0 : i32
      %dma_start3A_760 = tpu.memref_slice %arg6[%run_scoped3A, %dma_start3A_759] : memref<4x128xi32, #tpu.memory_space<vmem>> -> memref<1x128xi32, #tpu.memory_space<vmem>>
      %dma_start3A_761 = tpu.memref_squeeze %dma_start3A_760 : memref<1x128xi32, #tpu.memory_space<vmem>> -> memref<128xi32, #tpu.memory_space<vmem>>
      %dma_start3A_762 = tpu.memref_slice %arg2[%add3A_4] : memref<16384xi32, #tpu.memory_space<hbm>> -> memref<128xi32, #tpu.memory_space<hbm>>
      tpu.enqueue_dma source(%dma_start3A_762 : memref<128xi32, #tpu.memory_space<hbm>>) target(%dma_start3A_761 : memref<128xi32, #tpu.memory_space<vmem>>) target_semaphore(%run_scoped3A_754 : memref<!tpu.dma_semaphore, #tpu.memory_space<semaphore_mem>>)
      %dma_wait3A_763 = arith.constant 0 : i32
      %dma_wait3A_764 = tpu.memref_slice %arg6[%run_scoped3A, %dma_wait3A_763] : memref<4x128xi32, #tpu.memory_space<vmem>> -> memref<1x128xi32, #tpu.memory_space<vmem>>
      %dma_wait3A_765 = tpu.memref_squeeze %dma_wait3A_764 : memref<1x128xi32, #tpu.memory_space<vmem>> -> memref<128xi32, #tpu.memory_space<vmem>>
      %dma_wait3A_766 = tpu.memref_slice %arg2[%add3A_4] : memref<16384xi32, #tpu.memory_space<hbm>> -> memref<128xi32, #tpu.memory_space<hbm>>
      %dma_wait3A_767 = arith.constant 0 : i32
      %dma_wait3A_768 = tpu.memref_slice %arg6[%run_scoped3A, %dma_wait3A_767] : memref<4x128xi32, #tpu.memory_space<vmem>> -> memref<1x128xi32, #tpu.memory_space<vmem>>
      %dma_wait3A_769 = tpu.memref_squeeze %dma_wait3A_768 : memref<1x128xi32, #tpu.memory_space<vmem>> -> memref<128xi32, #tpu.memory_space<vmem>>
      %dma_wait3A_770 = tpu.memref_slice %arg2[%add3A_4] : memref<16384xi32, #tpu.memory_space<hbm>> -> memref<128xi32, #tpu.memory_space<hbm>>
      tpu.wait_dma2 semaphore(%run_scoped3A_754 : memref<!tpu.dma_semaphore, #tpu.memory_space<semaphore_mem>>) src(%dma_wait3A_770 : memref<128xi32, #tpu.memory_space<hbm>>) dst(%dma_wait3A_769 : memref<128xi32, #tpu.memory_space<vmem>>)
      tpu.yield
    }) : () -> ()
    %add3A_5 = arith.constant 0 : i32
    %add3A_6 = arith.addi %mul3A_2, %add3A_5 : i32
    %run_scoped3A_7 = arith.constant 0 : i32
    "tpu.region"() ({
      %run_scoped3A_754 = tpu.sem_alloc : memref<!tpu.dma_semaphore, #tpu.memory_space<semaphore_mem>>
      %dma_start3A_755 = arith.constant 0 : i32
      %dma_start3A_756 = tpu.memref_slice %arg7[%run_scoped3A_7, %dma_start3A_755] : memref<4x128xi32, #tpu.memory_space<vmem>> -> memref<1x128xi32, #tpu.memory_space<vmem>>
      %dma_start3A_757 = tpu.memref_squeeze %dma_start3A_756 : memref<1x128xi32, #tpu.memory_space<vmem>> -> memref<128xi32, #tpu.memory_space<vmem>>
      %dma_start3A_758 = tpu.memref_slice %arg3[%add3A_6] : memref<16384xi32, #tpu.memory_space<hbm>> -> memref<128xi32, #tpu.memory_space<hbm>>
      %dma_start3A_759 = arith.constant 0 : i32
      %dma_start3A_760 = tpu.memref_slice %arg7[%run_scoped3A_7, %dma_start3A_759] : memref<4x128xi32, #tpu.memory_space<vmem>> -> memref<1x128xi32, #tpu.memory_space<vmem>>
      %dma_start3A_761 = tpu.memref_squeeze %dma_start3A_760 : memref<1x128xi32, #tpu.memory_space<vmem>> -> memref<128xi32, #tpu.memory_space<vmem>>
      %dma_start3A_762 = tpu.memref_slice %arg3[%add3A_6] : memref<16384xi32, #tpu.memory_space<hbm>> -> memref<128xi32, #tpu.memory_space<hbm>>
      tpu.enqueue_dma source(%dma_start3A_762 : memref<128xi32, #tpu.memory_space<hbm>>) target(%dma_start3A_761 : memref<128xi32, #tpu.memory_space<vmem>>) target_semaphore(%run_scoped3A_754 : memref<!tpu.dma_semaphore, #tpu.memory_space<semaphore_mem>>)
      %dma_wait3A_763 = arith.constant 0 : i32
      %dma_wait3A_764 = tpu.memref_slice %arg7[%run_scoped3A_7, %dma_wait3A_763] : memref<4x128xi32, #tpu.memory_space<vmem>> -> memref<1x128xi32, #tpu.memory_space<vmem>>
      %dma_wait3A_765 = tpu.memref_squeeze %dma_wait3A_764 : memref<1x128xi32, #tpu.memory_space<vmem>> -> memref<128xi32, #tpu.memory_space<vmem>>
      %dma_wait3A_766 = tpu.memref_slice %arg3[%add3A_6] : memref<16384xi32, #tpu.memory_space<hbm>> -> memref<128xi32, #tpu.memory_space<hbm>>
      %dma_wait3A_767 = arith.constant 0 : i32
      %dma_wait3A_768 = tpu.memref_slice %arg7[%run_scoped3A_7, %dma_wait3A_767] : memref<4x128xi32, #tpu.memory_space<vmem>> -> memref<1x128xi32, #tpu.memory_space<vmem>>
      %dma_wait3A_769 = tpu.memref_squeeze %dma_wait3A_768 : memref<1x128xi32, #tpu.memory_space<vmem>> -> memref<128xi32, #tpu.memory_space<vmem>>
      %dma_wait3A_770 = tpu.memref_slice %arg3[%add3A_6] : memref<16384xi32, #tpu.memory_space<hbm>> -> memref<128xi32, #tpu.memory_space<hbm>>
      tpu.wait_dma2 semaphore(%run_scoped3A_754 : memref<!tpu.dma_semaphore, #tpu.memory_space<semaphore_mem>>) src(%dma_wait3A_770 : memref<128xi32, #tpu.memory_space<hbm>>) dst(%dma_wait3A_769 : memref<128xi32, #tpu.memory_space<vmem>>)
      tpu.yield
    }) : () -> ()
    %add3A_8 = arith.constant 128 : i32
    %add3A_9 = arith.addi %mul3A_2, %add3A_8 : i32
    %run_scoped3A_10 = arith.constant 1 : i32
    "tpu.region"() ({
      %run_scoped3A_754 = tpu.sem_alloc : memref<!tpu.dma_semaphore, #tpu.memory_space<semaphore_mem>>
      %dma_start3A_755 = arith.constant 0 : i32
      %dma_start3A_756 = tpu.memref_slice %arg6[%run_scoped3A_10, %dma_start3A_755] : memref<4x128xi32, #tpu.memory_space<vmem>> -> memref<1x128xi32, #tpu.memory_space<vmem>>
      %dma_start3A_757 = tpu.memref_squeeze %dma_start3A_756 : memref<1x128xi32, #tpu.memory_space<vmem>> -> memref<128xi32, #tpu.memory_space<vmem>>
      %dma_start3A_758 = tpu.memref_slice %arg2[%add3A_9] : memref<16384xi32, #tpu.memory_space<hbm>> -> memref<128xi32, #tpu.memory_space<hbm>>
      %dma_start3A_759 = arith.constant 0 : i32
      %dma_start3A_760 = tpu.memref_slice %arg6[%run_scoped3A_10, %dma_start3A_759] : memref<4x128xi32, #tpu.memory_space<vmem>> -> memref<1x128xi32, #tpu.memory_space<vmem>>
      %dma_start3A_761 = tpu.memref_squeeze %dma_start3A_760 : memref<1x128xi32, #tpu.memory_space<vmem>> -> memref<128xi32, #tpu.memory_space<vmem>>
      %dma_start3A_762 = tpu.memref_slice %arg2[%add3A_9] : memref<16384xi32, #tpu.memory_space<hbm>> -> memref<128xi32, #tpu.memory_space<hbm>>
      tpu.enqueue_dma source(%dma_start3A_762 : memref<128xi32, #tpu.memory_space<hbm>>) target(%dma_start3A_761 : memref<128xi32, #tpu.memory_space<vmem>>) target_semaphore(%run_scoped3A_754 : memref<!tpu.dma_semaphore, #tpu.memory_space<semaphore_mem>>)
      %dma_wait3A_763 = arith.constant 0 : i32
      %dma_wait3A_764 = tpu.memref_slice %arg6[%run_scoped3A_10, %dma_wait3A_763] : memref<4x128xi32, #tpu.memory_space<vmem>> -> memref<1x128xi32, #tpu.memory_space<vmem>>
      %dma_wait3A_765 = tpu.memref_squeeze %dma_wait3A_764 : memref<1x128xi32, #tpu.memory_space<vmem>> -> memref<128xi32, #tpu.memory_space<vmem>>
      %dma_wait3A_766 = tpu.memref_slice %arg2[%add3A_9] : memref<16384xi32, #tpu.memory_space<hbm>> -> memref<128xi32, #tpu.memory_space<hbm>>
      %dma_wait3A_767 = arith.constant 0 : i32
      %dma_wait3A_768 = tpu.memref_slice %arg6[%run_scoped3A_10, %dma_wait3A_767] : memref<4x128xi32, #tpu.memory_space<vmem>> -> memref<1x128xi32, #tpu.memory_space<vmem>>
      %dma_wait3A_769 = tpu.memref_squeeze %dma_wait3A_768 : memref<1x128xi32, #tpu.memory_space<vmem>> -> memref<128xi32, #tpu.memory_space<vmem>>
      %dma_wait3A_770 = tpu.memref_slice %arg2[%add3A_9] : memref<16384xi32, #tpu.memory_space<hbm>> -> memref<128xi32, #tpu.memory_space<hbm>>
      tpu.wait_dma2 semaphore(%run_scoped3A_754 : memref<!tpu.dma_semaphore, #tpu.memory_space<semaphore_mem>>) src(%dma_wait3A_770 : memref<128xi32, #tpu.memory_space<hbm>>) dst(%dma_wait3A_769 : memref<128xi32, #tpu.memory_space<vmem>>)
      tpu.yield
    }) : () -> ()
    %add3A_11 = arith.constant 128 : i32
    %add3A_12 = arith.addi %mul3A_2, %add3A_11 : i32
    %run_scoped3A_13 = arith.constant 1 : i32
    "tpu.region"() ({
      %run_scoped3A_754 = tpu.sem_alloc : memref<!tpu.dma_semaphore, #tpu.memory_space<semaphore_mem>>
      %dma_start3A_755 = arith.constant 0 : i32
      %dma_start3A_756 = tpu.memref_slice %arg7[%run_scoped3A_13, %dma_start3A_755] : memref<4x128xi32, #tpu.memory_space<vmem>> -> memref<1x128xi32, #tpu.memory_space<vmem>>
      %dma_start3A_757 = tpu.memref_squeeze %dma_start3A_756 : memref<1x128xi32, #tpu.memory_space<vmem>> -> memref<128xi32, #tpu.memory_space<vmem>>
      %dma_start3A_758 = tpu.memref_slice %arg3[%add3A_12] : memref<16384xi32, #tpu.memory_space<hbm>> -> memref<128xi32, #tpu.memory_space<hbm>>
      %dma_start3A_759 = arith.constant 0 : i32
      %dma_start3A_760 = tpu.memref_slice %arg7[%run_scoped3A_13, %dma_start3A_759] : memref<4x128xi32, #tpu.memory_space<vmem>> -> memref<1x128xi32, #tpu.memory_space<vmem>>
      %dma_start3A_761 = tpu.memref_squeeze %dma_start3A_760 : memref<1x128xi32, #tpu.memory_space<vmem>> -> memref<128xi32, #tpu.memory_space<vmem>>
      %dma_start3A_762 = tpu.memref_slice %arg3[%add3A_12] : memref<16384xi32, #tpu.memory_space<hbm>> -> memref<128xi32, #tpu.memory_space<hbm>>
      tpu.enqueue_dma source(%dma_start3A_762 : memref<128xi32, #tpu.memory_space<hbm>>) target(%dma_start3A_761 : memref<128xi32, #tpu.memory_space<vmem>>) target_semaphore(%run_scoped3A_754 : memref<!tpu.dma_semaphore, #tpu.memory_space<semaphore_mem>>)
      %dma_wait3A_763 = arith.constant 0 : i32
      %dma_wait3A_764 = tpu.memref_slice %arg7[%run_scoped3A_13, %dma_wait3A_763] : memref<4x128xi32, #tpu.memory_space<vmem>> -> memref<1x128xi32, #tpu.memory_space<vmem>>
      %dma_wait3A_765 = tpu.memref_squeeze %dma_wait3A_764 : memref<1x128xi32, #tpu.memory_space<vmem>> -> memref<128xi32, #tpu.memory_space<vmem>>
      %dma_wait3A_766 = tpu.memref_slice %arg3[%add3A_12] : memref<16384xi32, #tpu.memory_space<hbm>> -> memref<128xi32, #tpu.memory_space<hbm>>
      %dma_wait3A_767 = arith.constant 0 : i32
      %dma_wait3A_768 = tpu.memref_slice %arg7[%run_scoped3A_13, %dma_wait3A_767] : memref<4x128xi32, #tpu.memory_space<vmem>> -> memref<1x128xi32, #tpu.memory_space<vmem>>
      %dma_wait3A_769 = tpu.memref_squeeze %dma_wait3A_768 : memref<1x128xi32, #tpu.memory_space<vmem>> -> memref<128xi32, #tpu.memory_space<vmem>>
      %dma_wait3A_770 = tpu.memref_slice %arg3[%add3A_12] : memref<16384xi32, #tpu.memory_space<hbm>> -> memref<128xi32, #tpu.memory_space<hbm>>
      tpu.wait_dma2 semaphore(%run_scoped3A_754 : memref<!tpu.dma_semaphore, #tpu.memory_space<semaphore_mem>>) src(%dma_wait3A_770 : memref<128xi32, #tpu.memory_space<hbm>>) dst(%dma_wait3A_769 : memref<128xi32, #tpu.memory_space<vmem>>)
      tpu.yield
    }) : () -> ()
    %add3A_14 = arith.constant 256 : i32
    %add3A_15 = arith.addi %mul3A_2, %add3A_14 : i32
    %run_scoped3A_16 = arith.constant 2 : i32
    "tpu.region"() ({
      %run_scoped3A_754 = tpu.sem_alloc : memref<!tpu.dma_semaphore, #tpu.memory_space<semaphore_mem>>
      %dma_start3A_755 = arith.constant 0 : i32
      %dma_start3A_756 = tpu.memref_slice %arg6[%run_scoped3A_16, %dma_start3A_755] : memref<4x128xi32, #tpu.memory_space<vmem>> -> memref<1x128xi32, #tpu.memory_space<vmem>>
      %dma_start3A_757 = tpu.memref_squeeze %dma_start3A_756 : memref<1x128xi32, #tpu.memory_space<vmem>> -> memref<128xi32, #tpu.memory_space<vmem>>
      %dma_start3A_758 = tpu.memref_slice %arg2[%add3A_15] : memref<16384xi32, #tpu.memory_space<hbm>> -> memref<128xi32, #tpu.memory_space<hbm>>
      %dma_start3A_759 = arith.constant 0 : i32
      %dma_start3A_760 = tpu.memref_slice %arg6[%run_scoped3A_16, %dma_start3A_759] : memref<4x128xi32, #tpu.memory_space<vmem>> -> memref<1x128xi32, #tpu.memory_space<vmem>>
      %dma_start3A_761 = tpu.memref_squeeze %dma_start3A_760 : memref<1x128xi32, #tpu.memory_space<vmem>> -> memref<128xi32, #tpu.memory_space<vmem>>
      %dma_start3A_762 = tpu.memref_slice %arg2[%add3A_15] : memref<16384xi32, #tpu.memory_space<hbm>> -> memref<128xi32, #tpu.memory_space<hbm>>
      tpu.enqueue_dma source(%dma_start3A_762 : memref<128xi32, #tpu.memory_space<hbm>>) target(%dma_start3A_761 : memref<128xi32, #tpu.memory_space<vmem>>) target_semaphore(%run_scoped3A_754 : memref<!tpu.dma_semaphore, #tpu.memory_space<semaphore_mem>>)
      %dma_wait3A_763 = arith.constant 0 : i32
      %dma_wait3A_764 = tpu.memref_slice %arg6[%run_scoped3A_16, %dma_wait3A_763] : memref<4x128xi32, #tpu.memory_space<vmem>> -> memref<1x128xi32, #tpu.memory_space<vmem>>
      %dma_wait3A_765 = tpu.memref_squeeze %dma_wait3A_764 : memref<1x128xi32, #tpu.memory_space<vmem>> -> memref<128xi32, #tpu.memory_space<vmem>>
      %dma_wait3A_766 = tpu.memref_slice %arg2[%add3A_15] : memref<16384xi32, #tpu.memory_space<hbm>> -> memref<128xi32, #tpu.memory_space<hbm>>
      %dma_wait3A_767 = arith.constant 0 : i32
      %dma_wait3A_768 = tpu.memref_slice %arg6[%run_scoped3A_16, %dma_wait3A_767] : memref<4x128xi32, #tpu.memory_space<vmem>> -> memref<1x128xi32, #tpu.memory_space<vmem>>
      %dma_wait3A_769 = tpu.memref_squeeze %dma_wait3A_768 : memref<1x128xi32, #tpu.memory_space<vmem>> -> memref<128xi32, #tpu.memory_space<vmem>>
      %dma_wait3A_770 = tpu.memref_slice %arg2[%add3A_15] : memref<16384xi32, #tpu.memory_space<hbm>> -> memref<128xi32, #tpu.memory_space<hbm>>
      tpu.wait_dma2 semaphore(%run_scoped3A_754 : memref<!tpu.dma_semaphore, #tpu.memory_space<semaphore_mem>>) src(%dma_wait3A_770 : memref<128xi32, #tpu.memory_space<hbm>>) dst(%dma_wait3A_769 : memref<128xi32, #tpu.memory_space<vmem>>)
      tpu.yield
    }) : () -> ()
    %add3A_17 = arith.constant 256 : i32
    %add3A_18 = arith.addi %mul3A_2, %add3A_17 : i32
    %run_scoped3A_19 = arith.constant 2 : i32
    "tpu.region"() ({
      %run_scoped3A_754 = tpu.sem_alloc : memref<!tpu.dma_semaphore, #tpu.memory_space<semaphore_mem>>
      %dma_start3A_755 = arith.constant 0 : i32
      %dma_start3A_756 = tpu.memref_slice %arg7[%run_scoped3A_19, %dma_start3A_755] : memref<4x128xi32, #tpu.memory_space<vmem>> -> memref<1x128xi32, #tpu.memory_space<vmem>>
      %dma_start3A_757 = tpu.memref_squeeze %dma_start3A_756 : memref<1x128xi32, #tpu.memory_space<vmem>> -> memref<128xi32, #tpu.memory_space<vmem>>
      %dma_start3A_758 = tpu.memref_slice %arg3[%add3A_18] : memref<16384xi32, #tpu.memory_space<hbm>> -> memref<128xi32, #tpu.memory_space<hbm>>
      %dma_start3A_759 = arith.constant 0 : i32
      %dma_start3A_760 = tpu.memref_slice %arg7[%run_scoped3A_19, %dma_start3A_759] : memref<4x128xi32, #tpu.memory_space<vmem>> -> memref<1x128xi32, #tpu.memory_space<vmem>>
      %dma_start3A_761 = tpu.memref_squeeze %dma_start3A_760 : memref<1x128xi32, #tpu.memory_space<vmem>> -> memref<128xi32, #tpu.memory_space<vmem>>
      %dma_start3A_762 = tpu.memref_slice %arg3[%add3A_18] : memref<16384xi32, #tpu.memory_space<hbm>> -> memref<128xi32, #tpu.memory_space<hbm>>
      tpu.enqueue_dma source(%dma_start3A_762 : memref<128xi32, #tpu.memory_space<hbm>>) target(%dma_start3A_761 : memref<128xi32, #tpu.memory_space<vmem>>) target_semaphore(%run_scoped3A_754 : memref<!tpu.dma_semaphore, #tpu.memory_space<semaphore_mem>>)
      %dma_wait3A_763 = arith.constant 0 : i32
      %dma_wait3A_764 = tpu.memref_slice %arg7[%run_scoped3A_19, %dma_wait3A_763] : memref<4x128xi32, #tpu.memory_space<vmem>> -> memref<1x128xi32, #tpu.memory_space<vmem>>
      %dma_wait3A_765 = tpu.memref_squeeze %dma_wait3A_764 : memref<1x128xi32, #tpu.memory_space<vmem>> -> memref<128xi32, #tpu.memory_space<vmem>>
      %dma_wait3A_766 = tpu.memref_slice %arg3[%add3A_18] : memref<16384xi32, #tpu.memory_space<hbm>> -> memref<128xi32, #tpu.memory_space<hbm>>
      %dma_wait3A_767 = arith.constant 0 : i32
      %dma_wait3A_768 = tpu.memref_slice %arg7[%run_scoped3A_19, %dma_wait3A_767] : memref<4x128xi32, #tpu.memory_space<vmem>> -> memref<1x128xi32, #tpu.memory_space<vmem>>
      %dma_wait3A_769 = tpu.memref_squeeze %dma_wait3A_768 : memref<1x128xi32, #tpu.memory_space<vmem>> -> memref<128xi32, #tpu.memory_space<vmem>>
      %dma_wait3A_770 = tpu.memref_slice %arg3[%add3A_18] : memref<16384xi32, #tpu.memory_space<hbm>> -> memref<128xi32, #tpu.memory_space<hbm>>
      tpu.wait_dma2 semaphore(%run_scoped3A_754 : memref<!tpu.dma_semaphore, #tpu.memory_space<semaphore_mem>>) src(%dma_wait3A_770 : memref<128xi32, #tpu.memory_space<hbm>>) dst(%dma_wait3A_769 : memref<128xi32, #tpu.memory_space<vmem>>)
      tpu.yield
    }) : () -> ()
    %add3A_20 = arith.constant 384 : i32
    %add3A_21 = arith.addi %mul3A_2, %add3A_20 : i32
    %run_scoped3A_22 = arith.constant 3 : i32
    "tpu.region"() ({
      %run_scoped3A_754 = tpu.sem_alloc : memref<!tpu.dma_semaphore, #tpu.memory_space<semaphore_mem>>
      %dma_start3A_755 = arith.constant 0 : i32
      %dma_start3A_756 = tpu.memref_slice %arg6[%run_scoped3A_22, %dma_start3A_755] : memref<4x128xi32, #tpu.memory_space<vmem>> -> memref<1x128xi32, #tpu.memory_space<vmem>>
      %dma_start3A_757 = tpu.memref_squeeze %dma_start3A_756 : memref<1x128xi32, #tpu.memory_space<vmem>> -> memref<128xi32, #tpu.memory_space<vmem>>
      %dma_start3A_758 = tpu.memref_slice %arg2[%add3A_21] : memref<16384xi32, #tpu.memory_space<hbm>> -> memref<128xi32, #tpu.memory_space<hbm>>
      %dma_start3A_759 = arith.constant 0 : i32
      %dma_start3A_760 = tpu.memref_slice %arg6[%run_scoped3A_22, %dma_start3A_759] : memref<4x128xi32, #tpu.memory_space<vmem>> -> memref<1x128xi32, #tpu.memory_space<vmem>>
      %dma_start3A_761 = tpu.memref_squeeze %dma_start3A_760 : memref<1x128xi32, #tpu.memory_space<vmem>> -> memref<128xi32, #tpu.memory_space<vmem>>
      %dma_start3A_762 = tpu.memref_slice %arg2[%add3A_21] : memref<16384xi32, #tpu.memory_space<hbm>> -> memref<128xi32, #tpu.memory_space<hbm>>
      tpu.enqueue_dma source(%dma_start3A_762 : memref<128xi32, #tpu.memory_space<hbm>>) target(%dma_start3A_761 : memref<128xi32, #tpu.memory_space<vmem>>) target_semaphore(%run_scoped3A_754 : memref<!tpu.dma_semaphore, #tpu.memory_space<semaphore_mem>>)
      %dma_wait3A_763 = arith.constant 0 : i32
      %dma_wait3A_764 = tpu.memref_slice %arg6[%run_scoped3A_22, %dma_wait3A_763] : memref<4x128xi32, #tpu.memory_space<vmem>> -> memref<1x128xi32, #tpu.memory_space<vmem>>
      %dma_wait3A_765 = tpu.memref_squeeze %dma_wait3A_764 : memref<1x128xi32, #tpu.memory_space<vmem>> -> memref<128xi32, #tpu.memory_space<vmem>>
      %dma_wait3A_766 = tpu.memref_slice %arg2[%add3A_21] : memref<16384xi32, #tpu.memory_space<hbm>> -> memref<128xi32, #tpu.memory_space<hbm>>
      %dma_wait3A_767 = arith.constant 0 : i32
      %dma_wait3A_768 = tpu.memref_slice %arg6[%run_scoped3A_22, %dma_wait3A_767] : memref<4x128xi32, #tpu.memory_space<vmem>> -> memref<1x128xi32, #tpu.memory_space<vmem>>
      %dma_wait3A_769 = tpu.memref_squeeze %dma_wait3A_768 : memref<1x128xi32, #tpu.memory_space<vmem>> -> memref<128xi32, #tpu.memory_space<vmem>>
      %dma_wait3A_770 = tpu.memref_slice %arg2[%add3A_21] : memref<16384xi32, #tpu.memory_space<hbm>> -> memref<128xi32, #tpu.memory_space<hbm>>
      tpu.wait_dma2 semaphore(%run_scoped3A_754 : memref<!tpu.dma_semaphore, #tpu.memory_space<semaphore_mem>>) src(%dma_wait3A_770 : memref<128xi32, #tpu.memory_space<hbm>>) dst(%dma_wait3A_769 : memref<128xi32, #tpu.memory_space<vmem>>)
      tpu.yield
    }) : () -> ()
    %add3A_23 = arith.constant 384 : i32
    %add3A_24 = arith.addi %mul3A_2, %add3A_23 : i32
    %run_scoped3A_25 = arith.constant 3 : i32
    "tpu.region"() ({
      %run_scoped3A_754 = tpu.sem_alloc : memref<!tpu.dma_semaphore, #tpu.memory_space<semaphore_mem>>
      %dma_start3A_755 = arith.constant 0 : i32
      %dma_start3A_756 = tpu.memref_slice %arg7[%run_scoped3A_25, %dma_start3A_755] : memref<4x128xi32, #tpu.memory_space<vmem>> -> memref<1x128xi32, #tpu.memory_space<vmem>>
      %dma_start3A_757 = tpu.memref_squeeze %dma_start3A_756 : memref<1x128xi32, #tpu.memory_space<vmem>> -> memref<128xi32, #tpu.memory_space<vmem>>
      %dma_start3A_758 = tpu.memref_slice %arg3[%add3A_24] : memref<16384xi32, #tpu.memory_space<hbm>> -> memref<128xi32, #tpu.memory_space<hbm>>
      %dma_start3A_759 = arith.constant 0 : i32
      %dma_start3A_760 = tpu.memref_slice %arg7[%run_scoped3A_25, %dma_start3A_759] : memref<4x128xi32, #tpu.memory_space<vmem>> -> memref<1x128xi32, #tpu.memory_space<vmem>>
      %dma_start3A_761 = tpu.memref_squeeze %dma_start3A_760 : memref<1x128xi32, #tpu.memory_space<vmem>> -> memref<128xi32, #tpu.memory_space<vmem>>
      %dma_start3A_762 = tpu.memref_slice %arg3[%add3A_24] : memref<16384xi32, #tpu.memory_space<hbm>> -> memref<128xi32, #tpu.memory_space<hbm>>
      tpu.enqueue_dma source(%dma_start3A_762 : memref<128xi32, #tpu.memory_space<hbm>>) target(%dma_start3A_761 : memref<128xi32, #tpu.memory_space<vmem>>) target_semaphore(%run_scoped3A_754 : memref<!tpu.dma_semaphore, #tpu.memory_space<semaphore_mem>>)
      %dma_wait3A_763 = arith.constant 0 : i32
      %dma_wait3A_764 = tpu.memref_slice %arg7[%run_scoped3A_25, %dma_wait3A_763] : memref<4x128xi32, #tpu.memory_space<vmem>> -> memref<1x128xi32, #tpu.memory_space<vmem>>
      %dma_wait3A_765 = tpu.memref_squeeze %dma_wait3A_764 : memref<1x128xi32, #tpu.memory_space<vmem>> -> memref<128xi32, #tpu.memory_space<vmem>>
      %dma_wait3A_766 = tpu.memref_slice %arg3[%add3A_24] : memref<16384xi32, #tpu.memory_space<hbm>> -> memref<128xi32, #tpu.memory_space<hbm>>
      %dma_wait3A_767 = arith.constant 0 : i32
      %dma_wait3A_768 = tpu.memref_slice %arg7[%run_scoped3A_25, %dma_wait3A_767] : memref<4x128xi32, #tpu.memory_space<vmem>> -> memref<1x128xi32, #tpu.memory_space<vmem>>
      %dma_wait3A_769 = tpu.memref_squeeze %dma_wait3A_768 : memref<1x128xi32, #tpu.memory_space<vmem>> -> memref<128xi32, #tpu.memory_space<vmem>>
      %dma_wait3A_770 = tpu.memref_slice %arg3[%add3A_24] : memref<16384xi32, #tpu.memory_space<hbm>> -> memref<128xi32, #tpu.memory_space<hbm>>
      tpu.wait_dma2 semaphore(%run_scoped3A_754 : memref<!tpu.dma_semaphore, #tpu.memory_space<semaphore_mem>>) src(%dma_wait3A_770 : memref<128xi32, #tpu.memory_space<hbm>>) dst(%dma_wait3A_769 : memref<128xi32, #tpu.memory_space<vmem>>)
      tpu.yield
    }) : () -> ()
    %get3A = arith.constant 0 : i32
    %get3A_26 = arith.index_cast %get3A : i32 to index
    %get3A_27 = arith.constant 0 : index
    %get3A_28 = tpu.vector_load %arg6[%get3A_26, %get3A_27] {strides = array<i32>} : memref<4x128xi32, #tpu.memory_space<vmem>>, vector<1x16xi32>,
    %get3A_29 = vector.shape_cast %get3A_28 : vector<1x16xi32> to vector<16xi32>
    %get3A_30 = arith.constant 0 : i32
    %get3A_31 = arith.index_cast %get3A_30 : i32 to index
    %get3A_32 = arith.constant 0 : index
    %get3A_33 = tpu.vector_load %arg7[%get3A_31, %get3A_32] {strides = array<i32>} : memref<4x128xi32, #tpu.memory_space<vmem>>, vector<1x16xi32>,
    %get3A_34 = vector.shape_cast %get3A_33 : vector<1x16xi32> to vector<16xi32>
    %mul3A_35 = arith.constant 1000 : i32
    %mul3A_36 = vector.broadcast %mul3A_35 : i32 to vector<16xi32>
    %mul3A_37 = arith.muli %get3A_34, %mul3A_36 : vector<16xi32>
    %add3A_38 = arith.addi %get3A_29, %mul3A_37 : vector<16xi32>
    %swap3A = arith.constant 0 : i32
    %swap3A_39 = arith.index_cast %swap3A : i32 to index
    %swap3A_40 = arith.constant 0 : index
    %swap3A_41 = tpu.vector_load %arg6[%swap3A_39, %swap3A_40] {strides = array<i32>} : memref<4x128xi32, #tpu.memory_space<vmem>>, vector<1x16xi32>,
    %swap3A_42 = vector.shape_cast %swap3A_41 : vector<1x16xi32> to vector<16xi32>
    %swap3A_43 = vector.shape_cast %add3A_38 : vector<16xi32> to vector<1x16xi32>
    tpu.vector_store %arg6[%swap3A_39, %swap3A_40], %swap3A_43 {strides = array<i32>} : memref<4x128xi32, #tpu.memory_space<vmem>>, vector<1x16xi32>,
    %get3A_44 = arith.constant 0 : i32
    %get3A_45 = arith.index_cast %get3A_44 : i32 to index
    %get3A_46 = arith.constant 16 : index
    %get3A_47 = tpu.vector_load %arg6[%get3A_45, %get3A_46] {strides = array<i32>} : memref<4x128xi32, #tpu.memory_space<vmem>>, vector<1x16xi32>,
    %get3A_48 = vector.shape_cast %get3A_47 : vector<1x16xi32> to vector<16xi32>
    %get3A_49 = arith.constant 0 : i32
    %get3A_50 = arith.index_cast %get3A_49 : i32 to index
    %get3A_51 = arith.constant 16 : index
    %get3A_52 = tpu.vector_load %arg7[%get3A_50, %get3A_51] {strides = array<i32>} : memref<4x128xi32, #tpu.memory_space<vmem>>, vector<1x16xi32>,
    %get3A_53 = vector.shape_cast %get3A_52 : vector<1x16xi32> to vector<16xi32>
    %mul3A_54 = arith.constant 1000 : i32
    %mul3A_55 = vector.broadcast %mul3A_54 : i32 to vector<16xi32>
    %mul3A_56 = arith.muli %get3A_53, %mul3A_55 : vector<16xi32>
    %add3A_57 = arith.addi %get3A_48, %mul3A_56 : vector<16xi32>
    %swap3A_58 = arith.constant 0 : i32
    %swap3A_59 = arith.index_cast %swap3A_58 : i32 to index
    %swap3A_60 = arith.constant 16 : index
    %swap3A_61 = tpu.vector_load %arg6[%swap3A_59, %swap3A_60] {strides = array<i32>} : memref<4x128xi32, #tpu.memory_space<vmem>>, vector<1x16xi32>,
    %swap3A_62 = vector.shape_cast %swap3A_61 : vector<1x16xi32> to vector<16xi32>
    %swap3A_63 = vector.shape_cast %add3A_57 : vector<16xi32> to vector<1x16xi32>
    tpu.vector_store %arg6[%swap3A_59, %swap3A_60], %swap3A_63 {strides = array<i32>} : memref<4x128xi32, #tpu.memory_space<vmem>>, vector<1x16xi32>,
    %get3A_64 = arith.constant 0 : i32
    %get3A_65 = arith.index_cast %get3A_64 : i32 to index
    %get3A_66 = arith.constant 32 : index
    %get3A_67 = tpu.vector_load %arg6[%get3A_65, %get3A_66] {strides = array<i32>} : memref<4x128xi32, #tpu.memory_space<vmem>>, vector<1x16xi32>,
    %get3A_68 = vector.shape_cast %get3A_67 : vector<1x16xi32> to vector<16xi32>
    %get3A_69 = arith.constant 0 : i32
    %get3A_70 = arith.index_cast %get3A_69 : i32 to index
    %get3A_71 = arith.constant 32 : index
    %get3A_72 = tpu.vector_load %arg7[%get3A_70, %get3A_71] {strides = array<i32>} : memref<4x128xi32, #tpu.memory_space<vmem>>, vector<1x16xi32>,
    %get3A_73 = vector.shape_cast %get3A_72 : vector<1x16xi32> to vector<16xi32>
    %mul3A_74 = arith.constant 1000 : i32
    %mul3A_75 = vector.broadcast %mul3A_74 : i32 to vector<16xi32>
    %mul3A_76 = arith.muli %get3A_73, %mul3A_75 : vector<16xi32>
    %add3A_77 = arith.addi %get3A_68, %mul3A_76 : vector<16xi32>
    %swap3A_78 = arith.constant 0 : i32
    %swap3A_79 = arith.index_cast %swap3A_78 : i32 to index
    %swap3A_80 = arith.constant 32 : index
    %swap3A_81 = tpu.vector_load %arg6[%swap3A_79, %swap3A_80] {strides = array<i32>} : memref<4x128xi32, #tpu.memory_space<vmem>>, vector<1x16xi32>,
    %swap3A_82 = vector.shape_cast %swap3A_81 : vector<1x16xi32> to vector<16xi32>
    %swap3A_83 = vector.shape_cast %add3A_77 : vector<16xi32> to vector<1x16xi32>
    tpu.vector_store %arg6[%swap3A_79, %swap3A_80], %swap3A_83 {strides = array<i32>} : memref<4x128xi32, #tpu.memory_space<vmem>>, vector<1x16xi32>,
    %get3A_84 = arith.constant 0 : i32
    %get3A_85 = arith.index_cast %get3A_84 : i32 to index
    %get3A_86 = arith.constant 48 : index
    %get3A_87 = tpu.vector_load %arg6[%get3A_85, %get3A_86] {strides = array<i32>} : memref<4x128xi32, #tpu.memory_space<vmem>>, vector<1x16xi32>,
    %get3A_88 = vector.shape_cast %get3A_87 : vector<1x16xi32> to vector<16xi32>
    %get3A_89 = arith.constant 0 : i32
    %get3A_90 = arith.index_cast %get3A_89 : i32 to index
    %get3A_91 = arith.constant 48 : index
    %get3A_92 = tpu.vector_load %arg7[%get3A_90, %get3A_91] {strides = array<i32>} : memref<4x128xi32, #tpu.memory_space<vmem>>, vector<1x16xi32>,
    %get3A_93 = vector.shape_cast %get3A_92 : vector<1x16xi32> to vector<16xi32>
    %mul3A_94 = arith.constant 1000 : i32
    %mul3A_95 = vector.broadcast %mul3A_94 : i32 to vector<16xi32>
    %mul3A_96 = arith.muli %get3A_93, %mul3A_95 : vector<16xi32>
    %add3A_97 = arith.addi %get3A_88, %mul3A_96 : vector<16xi32>
    %swap3A_98 = arith.constant 0 : i32
    %swap3A_99 = arith.index_cast %swap3A_98 : i32 to index
    %swap3A_100 = arith.constant 48 : index
    %swap3A_101 = tpu.vector_load %arg6[%swap3A_99, %swap3A_100] {strides = array<i32>} : memref<4x128xi32, #tpu.memory_space<vmem>>, vector<1x16xi32>,
    %swap3A_102 = vector.shape_cast %swap3A_101 : vector<1x16xi32> to vector<16xi32>
    %swap3A_103 = vector.shape_cast %add3A_97 : vector<16xi32> to vector<1x16xi32>
    tpu.vector_store %arg6[%swap3A_99, %swap3A_100], %swap3A_103 {strides = array<i32>} : memref<4x128xi32, #tpu.memory_space<vmem>>, vector<1x16xi32>,
    %get3A_104 = arith.constant 0 : i32
    %get3A_105 = arith.index_cast %get3A_104 : i32 to index
    %get3A_106 = arith.constant 64 : index
    %get3A_107 = tpu.vector_load %arg6[%get3A_105, %get3A_106] {strides = array<i32>} : memref<4x128xi32, #tpu.memory_space<vmem>>, vector<1x16xi32>,
    %get3A_108 = vector.shape_cast %get3A_107 : vector<1x16xi32> to vector<16xi32>
    %get3A_109 = arith.constant 0 : i32
    %get3A_110 = arith.index_cast %get3A_109 : i32 to index
    %get3A_111 = arith.constant 64 : index
    %get3A_112 = tpu.vector_load %arg7[%get3A_110, %get3A_111] {strides = array<i32>} : memref<4x128xi32, #tpu.memory_space<vmem>>, vector<1x16xi32>,
    %get3A_113 = vector.shape_cast %get3A_112 : vector<1x16xi32> to vector<16xi32>
    %mul3A_114 = arith.constant 1000 : i32
    %mul3A_115 = vector.broadcast %mul3A_114 : i32 to vector<16xi32>
    %mul3A_116 = arith.muli %get3A_113, %mul3A_115 : vector<16xi32>
    %add3A_117 = arith.addi %get3A_108, %mul3A_116 : vector<16xi32>
    %swap3A_118 = arith.constant 0 : i32
    %swap3A_119 = arith.index_cast %swap3A_118 : i32 to index
    %swap3A_120 = arith.constant 64 : index
    %swap3A_121 = tpu.vector_load %arg6[%swap3A_119, %swap3A_120] {strides = array<i32>} : memref<4x128xi32, #tpu.memory_space<vmem>>, vector<1x16xi32>,
    %swap3A_122 = vector.shape_cast %swap3A_121 : vector<1x16xi32> to vector<16xi32>
    %swap3A_123 = vector.shape_cast %add3A_117 : vector<16xi32> to vector<1x16xi32>
    tpu.vector_store %arg6[%swap3A_119, %swap3A_120], %swap3A_123 {strides = array<i32>} : memref<4x128xi32, #tpu.memory_space<vmem>>, vector<1x16xi32>,
    %get3A_124 = arith.constant 0 : i32
    %get3A_125 = arith.index_cast %get3A_124 : i32 to index
    %get3A_126 = arith.constant 80 : index
    %get3A_127 = tpu.vector_load %arg6[%get3A_125, %get3A_126] {strides = array<i32>} : memref<4x128xi32, #tpu.memory_space<vmem>>, vector<1x16xi32>,
    %get3A_128 = vector.shape_cast %get3A_127 : vector<1x16xi32> to vector<16xi32>
    %get3A_129 = arith.constant 0 : i32
    %get3A_130 = arith.index_cast %get3A_129 : i32 to index
    %get3A_131 = arith.constant 80 : index
    %get3A_132 = tpu.vector_load %arg7[%get3A_130, %get3A_131] {strides = array<i32>} : memref<4x128xi32, #tpu.memory_space<vmem>>, vector<1x16xi32>,
    %get3A_133 = vector.shape_cast %get3A_132 : vector<1x16xi32> to vector<16xi32>
    %mul3A_134 = arith.constant 1000 : i32
    %mul3A_135 = vector.broadcast %mul3A_134 : i32 to vector<16xi32>
    %mul3A_136 = arith.muli %get3A_133, %mul3A_135 : vector<16xi32>
    %add3A_137 = arith.addi %get3A_128, %mul3A_136 : vector<16xi32>
    %swap3A_138 = arith.constant 0 : i32
    %swap3A_139 = arith.index_cast %swap3A_138 : i32 to index
    %swap3A_140 = arith.constant 80 : index
    %swap3A_141 = tpu.vector_load %arg6[%swap3A_139, %swap3A_140] {strides = array<i32>} : memref<4x128xi32, #tpu.memory_space<vmem>>, vector<1x16xi32>,
    %swap3A_142 = vector.shape_cast %swap3A_141 : vector<1x16xi32> to vector<16xi32>
    %swap3A_143 = vector.shape_cast %add3A_137 : vector<16xi32> to vector<1x16xi32>
    tpu.vector_store %arg6[%swap3A_139, %swap3A_140], %swap3A_143 {strides = array<i32>} : memref<4x128xi32, #tpu.memory_space<vmem>>, vector<1x16xi32>,
    %get3A_144 = arith.constant 0 : i32
    %get3A_145 = arith.index_cast %get3A_144 : i32 to index
    %get3A_146 = arith.constant 96 : index
    %get3A_147 = tpu.vector_load %arg6[%get3A_145, %get3A_146] {strides = array<i32>} : memref<4x128xi32, #tpu.memory_space<vmem>>, vector<1x16xi32>,
    %get3A_148 = vector.shape_cast %get3A_147 : vector<1x16xi32> to vector<16xi32>
    %get3A_149 = arith.constant 0 : i32
    %get3A_150 = arith.index_cast %get3A_149 : i32 to index
    %get3A_151 = arith.constant 96 : index
    %get3A_152 = tpu.vector_load %arg7[%get3A_150, %get3A_151] {strides = array<i32>} : memref<4x128xi32, #tpu.memory_space<vmem>>, vector<1x16xi32>,
    %get3A_153 = vector.shape_cast %get3A_152 : vector<1x16xi32> to vector<16xi32>
    %mul3A_154 = arith.constant 1000 : i32
    %mul3A_155 = vector.broadcast %mul3A_154 : i32 to vector<16xi32>
    %mul3A_156 = arith.muli %get3A_153, %mul3A_155 : vector<16xi32>
    %add3A_157 = arith.addi %get3A_148, %mul3A_156 : vector<16xi32>
    %swap3A_158 = arith.constant 0 : i32
    %swap3A_159 = arith.index_cast %swap3A_158 : i32 to index
    %swap3A_160 = arith.constant 96 : index
    %swap3A_161 = tpu.vector_load %arg6[%swap3A_159, %swap3A_160] {strides = array<i32>} : memref<4x128xi32, #tpu.memory_space<vmem>>, vector<1x16xi32>,
    %swap3A_162 = vector.shape_cast %swap3A_161 : vector<1x16xi32> to vector<16xi32>
    %swap3A_163 = vector.shape_cast %add3A_157 : vector<16xi32> to vector<1x16xi32>
    tpu.vector_store %arg6[%swap3A_159, %swap3A_160], %swap3A_163 {strides = array<i32>} : memref<4x128xi32, #tpu.memory_space<vmem>>, vector<1x16xi32>,
    %get3A_164 = arith.constant 0 : i32
    %get3A_165 = arith.index_cast %get3A_164 : i32 to index
    %get3A_166 = arith.constant 112 : index
    %get3A_167 = tpu.vector_load %arg6[%get3A_165, %get3A_166] {strides = array<i32>} : memref<4x128xi32, #tpu.memory_space<vmem>>, vector<1x16xi32>,
    %get3A_168 = vector.shape_cast %get3A_167 : vector<1x16xi32> to vector<16xi32>
    %get3A_169 = arith.constant 0 : i32
    %get3A_170 = arith.index_cast %get3A_169 : i32 to index
    %get3A_171 = arith.constant 112 : index
    %get3A_172 = tpu.vector_load %arg7[%get3A_170, %get3A_171] {strides = array<i32>} : memref<4x128xi32, #tpu.memory_space<vmem>>, vector<1x16xi32>,
    %get3A_173 = vector.shape_cast %get3A_172 : vector<1x16xi32> to vector<16xi32>
    %mul3A_174 = arith.constant 1000 : i32
    %mul3A_175 = vector.broadcast %mul3A_174 : i32 to vector<16xi32>
    %mul3A_176 = arith.muli %get3A_173, %mul3A_175 : vector<16xi32>
    %add3A_177 = arith.addi %get3A_168, %mul3A_176 : vector<16xi32>
    %swap3A_178 = arith.constant 0 : i32
    %swap3A_179 = arith.index_cast %swap3A_178 : i32 to index
    %swap3A_180 = arith.constant 112 : index
    %swap3A_181 = tpu.vector_load %arg6[%swap3A_179, %swap3A_180] {strides = array<i32>} : memref<4x128xi32, #tpu.memory_space<vmem>>, vector<1x16xi32>,
    %swap3A_182 = vector.shape_cast %swap3A_181 : vector<1x16xi32> to vector<16xi32>
    %swap3A_183 = vector.shape_cast %add3A_177 : vector<16xi32> to vector<1x16xi32>
    tpu.vector_store %arg6[%swap3A_179, %swap3A_180], %swap3A_183 {strides = array<i32>} : memref<4x128xi32, #tpu.memory_space<vmem>>, vector<1x16xi32>,
    %get3A_184 = arith.constant 1 : i32
    %get3A_185 = arith.index_cast %get3A_184 : i32 to index
    %get3A_186 = arith.constant 0 : index
    %get3A_187 = tpu.vector_load %arg6[%get3A_185, %get3A_186] {strides = array<i32>} : memref<4x128xi32, #tpu.memory_space<vmem>>, vector<1x16xi32>,
    %get3A_188 = vector.shape_cast %get3A_187 : vector<1x16xi32> to vector<16xi32>
    %get3A_189 = arith.constant 1 : i32
    %get3A_190 = arith.index_cast %get3A_189 : i32 to index
    %get3A_191 = arith.constant 0 : index
    %get3A_192 = tpu.vector_load %arg7[%get3A_190, %get3A_191] {strides = array<i32>} : memref<4x128xi32, #tpu.memory_space<vmem>>, vector<1x16xi32>,
    %get3A_193 = vector.shape_cast %get3A_192 : vector<1x16xi32> to vector<16xi32>
    %mul3A_194 = arith.constant 1000 : i32
    %mul3A_195 = vector.broadcast %mul3A_194 : i32 to vector<16xi32>
    %mul3A_196 = arith.muli %get3A_193, %mul3A_195 : vector<16xi32>
    %add3A_197 = arith.addi %get3A_188, %mul3A_196 : vector<16xi32>
    %swap3A_198 = arith.constant 1 : i32
    %swap3A_199 = arith.index_cast %swap3A_198 : i32 to index
    %swap3A_200 = arith.constant 0 : index
    %swap3A_201 = tpu.vector_load %arg6[%swap3A_199, %swap3A_200] {strides = array<i32>} : memref<4x128xi32, #tpu.memory_space<vmem>>, vector<1x16xi32>,
    %swap3A_202 = vector.shape_cast %swap3A_201 : vector<1x16xi32> to vector<16xi32>
    %swap3A_203 = vector.shape_cast %add3A_197 : vector<16xi32> to vector<1x16xi32>
    tpu.vector_store %arg6[%swap3A_199, %swap3A_200], %swap3A_203 {strides = array<i32>} : memref<4x128xi32, #tpu.memory_space<vmem>>, vector<1x16xi32>,
    %get3A_204 = arith.constant 1 : i32
    %get3A_205 = arith.index_cast %get3A_204 : i32 to index
    %get3A_206 = arith.constant 16 : index
    %get3A_207 = tpu.vector_load %arg6[%get3A_205, %get3A_206] {strides = array<i32>} : memref<4x128xi32, #tpu.memory_space<vmem>>, vector<1x16xi32>,
    %get3A_208 = vector.shape_cast %get3A_207 : vector<1x16xi32> to vector<16xi32>
    %get3A_209 = arith.constant 1 : i32
    %get3A_210 = arith.index_cast %get3A_209 : i32 to index
    %get3A_211 = arith.constant 16 : index
    %get3A_212 = tpu.vector_load %arg7[%get3A_210, %get3A_211] {strides = array<i32>} : memref<4x128xi32, #tpu.memory_space<vmem>>, vector<1x16xi32>,
    %get3A_213 = vector.shape_cast %get3A_212 : vector<1x16xi32> to vector<16xi32>
    %mul3A_214 = arith.constant 1000 : i32
    %mul3A_215 = vector.broadcast %mul3A_214 : i32 to vector<16xi32>
    %mul3A_216 = arith.muli %get3A_213, %mul3A_215 : vector<16xi32>
    %add3A_217 = arith.addi %get3A_208, %mul3A_216 : vector<16xi32>
    %swap3A_218 = arith.constant 1 : i32
    %swap3A_219 = arith.index_cast %swap3A_218 : i32 to index
    %swap3A_220 = arith.constant 16 : index
    %swap3A_221 = tpu.vector_load %arg6[%swap3A_219, %swap3A_220] {strides = array<i32>} : memref<4x128xi32, #tpu.memory_space<vmem>>, vector<1x16xi32>,
    %swap3A_222 = vector.shape_cast %swap3A_221 : vector<1x16xi32> to vector<16xi32>
    %swap3A_223 = vector.shape_cast %add3A_217 : vector<16xi32> to vector<1x16xi32>
    tpu.vector_store %arg6[%swap3A_219, %swap3A_220], %swap3A_223 {strides = array<i32>} : memref<4x128xi32, #tpu.memory_space<vmem>>, vector<1x16xi32>,
    %get3A_224 = arith.constant 1 : i32
    %get3A_225 = arith.index_cast %get3A_224 : i32 to index
    %get3A_226 = arith.constant 32 : index
    %get3A_227 = tpu.vector_load %arg6[%get3A_225, %get3A_226] {strides = array<i32>} : memref<4x128xi32, #tpu.memory_space<vmem>>, vector<1x16xi32>,
    %get3A_228 = vector.shape_cast %get3A_227 : vector<1x16xi32> to vector<16xi32>
    %get3A_229 = arith.constant 1 : i32
    %get3A_230 = arith.index_cast %get3A_229 : i32 to index
    %get3A_231 = arith.constant 32 : index
    %get3A_232 = tpu.vector_load %arg7[%get3A_230, %get3A_231] {strides = array<i32>} : memref<4x128xi32, #tpu.memory_space<vmem>>, vector<1x16xi32>,
    %get3A_233 = vector.shape_cast %get3A_232 : vector<1x16xi32> to vector<16xi32>
    %mul3A_234 = arith.constant 1000 : i32
    %mul3A_235 = vector.broadcast %mul3A_234 : i32 to vector<16xi32>
    %mul3A_236 = arith.muli %get3A_233, %mul3A_235 : vector<16xi32>
    %add3A_237 = arith.addi %get3A_228, %mul3A_236 : vector<16xi32>
    %swap3A_238 = arith.constant 1 : i32
    %swap3A_239 = arith.index_cast %swap3A_238 : i32 to index
    %swap3A_240 = arith.constant 32 : index
    %swap3A_241 = tpu.vector_load %arg6[%swap3A_239, %swap3A_240] {strides = array<i32>} : memref<4x128xi32, #tpu.memory_space<vmem>>, vector<1x16xi32>,
    %swap3A_242 = vector.shape_cast %swap3A_241 : vector<1x16xi32> to vector<16xi32>
    %swap3A_243 = vector.shape_cast %add3A_237 : vector<16xi32> to vector<1x16xi32>
    tpu.vector_store %arg6[%swap3A_239, %swap3A_240], %swap3A_243 {strides = array<i32>} : memref<4x128xi32, #tpu.memory_space<vmem>>, vector<1x16xi32>,
    %get3A_244 = arith.constant 1 : i32
    %get3A_245 = arith.index_cast %get3A_244 : i32 to index
    %get3A_246 = arith.constant 48 : index
    %get3A_247 = tpu.vector_load %arg6[%get3A_245, %get3A_246] {strides = array<i32>} : memref<4x128xi32, #tpu.memory_space<vmem>>, vector<1x16xi32>,
    %get3A_248 = vector.shape_cast %get3A_247 : vector<1x16xi32> to vector<16xi32>
    %get3A_249 = arith.constant 1 : i32
    %get3A_250 = arith.index_cast %get3A_249 : i32 to index
    %get3A_251 = arith.constant 48 : index
    %get3A_252 = tpu.vector_load %arg7[%get3A_250, %get3A_251] {strides = array<i32>} : memref<4x128xi32, #tpu.memory_space<vmem>>, vector<1x16xi32>,
    %get3A_253 = vector.shape_cast %get3A_252 : vector<1x16xi32> to vector<16xi32>
    %mul3A_254 = arith.constant 1000 : i32
    %mul3A_255 = vector.broadcast %mul3A_254 : i32 to vector<16xi32>
    %mul3A_256 = arith.muli %get3A_253, %mul3A_255 : vector<16xi32>
    %add3A_257 = arith.addi %get3A_248, %mul3A_256 : vector<16xi32>
    %swap3A_258 = arith.constant 1 : i32
    %swap3A_259 = arith.index_cast %swap3A_258 : i32 to index
    %swap3A_260 = arith.constant 48 : index
    %swap3A_261 = tpu.vector_load %arg6[%swap3A_259, %swap3A_260] {strides = array<i32>} : memref<4x128xi32, #tpu.memory_space<vmem>>, vector<1x16xi32>,
    %swap3A_262 = vector.shape_cast %swap3A_261 : vector<1x16xi32> to vector<16xi32>
    %swap3A_263 = vector.shape_cast %add3A_257 : vector<16xi32> to vector<1x16xi32>
    tpu.vector_store %arg6[%swap3A_259, %swap3A_260], %swap3A_263 {strides = array<i32>} : memref<4x128xi32, #tpu.memory_space<vmem>>, vector<1x16xi32>,
    %get3A_264 = arith.constant 1 : i32
    %get3A_265 = arith.index_cast %get3A_264 : i32 to index
    %get3A_266 = arith.constant 64 : index
    %get3A_267 = tpu.vector_load %arg6[%get3A_265, %get3A_266] {strides = array<i32>} : memref<4x128xi32, #tpu.memory_space<vmem>>, vector<1x16xi32>,
    %get3A_268 = vector.shape_cast %get3A_267 : vector<1x16xi32> to vector<16xi32>
    %get3A_269 = arith.constant 1 : i32
    %get3A_270 = arith.index_cast %get3A_269 : i32 to index
    %get3A_271 = arith.constant 64 : index
    %get3A_272 = tpu.vector_load %arg7[%get3A_270, %get3A_271] {strides = array<i32>} : memref<4x128xi32, #tpu.memory_space<vmem>>, vector<1x16xi32>,
    %get3A_273 = vector.shape_cast %get3A_272 : vector<1x16xi32> to vector<16xi32>
    %mul3A_274 = arith.constant 1000 : i32
    %mul3A_275 = vector.broadcast %mul3A_274 : i32 to vector<16xi32>
    %mul3A_276 = arith.muli %get3A_273, %mul3A_275 : vector<16xi32>
    %add3A_277 = arith.addi %get3A_268, %mul3A_276 : vector<16xi32>
    %swap3A_278 = arith.constant 1 : i32
    %swap3A_279 = arith.index_cast %swap3A_278 : i32 to index
    %swap3A_280 = arith.constant 64 : index
    %swap3A_281 = tpu.vector_load %arg6[%swap3A_279, %swap3A_280] {strides = array<i32>} : memref<4x128xi32, #tpu.memory_space<vmem>>, vector<1x16xi32>,
    %swap3A_282 = vector.shape_cast %swap3A_281 : vector<1x16xi32> to vector<16xi32>
    %swap3A_283 = vector.shape_cast %add3A_277 : vector<16xi32> to vector<1x16xi32>
    tpu.vector_store %arg6[%swap3A_279, %swap3A_280], %swap3A_283 {strides = array<i32>} : memref<4x128xi32, #tpu.memory_space<vmem>>, vector<1x16xi32>,
    %get3A_284 = arith.constant 1 : i32
    %get3A_285 = arith.index_cast %get3A_284 : i32 to index
    %get3A_286 = arith.constant 80 : index
    %get3A_287 = tpu.vector_load %arg6[%get3A_285, %get3A_286] {strides = array<i32>} : memref<4x128xi32, #tpu.memory_space<vmem>>, vector<1x16xi32>,
    %get3A_288 = vector.shape_cast %get3A_287 : vector<1x16xi32> to vector<16xi32>
    %get3A_289 = arith.constant 1 : i32
    %get3A_290 = arith.index_cast %get3A_289 : i32 to index
    %get3A_291 = arith.constant 80 : index
    %get3A_292 = tpu.vector_load %arg7[%get3A_290, %get3A_291] {strides = array<i32>} : memref<4x128xi32, #tpu.memory_space<vmem>>, vector<1x16xi32>,
    %get3A_293 = vector.shape_cast %get3A_292 : vector<1x16xi32> to vector<16xi32>
    %mul3A_294 = arith.constant 1000 : i32
    %mul3A_295 = vector.broadcast %mul3A_294 : i32 to vector<16xi32>
    %mul3A_296 = arith.muli %get3A_293, %mul3A_295 : vector<16xi32>
    %add3A_297 = arith.addi %get3A_288, %mul3A_296 : vector<16xi32>
    %swap3A_298 = arith.constant 1 : i32
    %swap3A_299 = arith.index_cast %swap3A_298 : i32 to index
    %swap3A_300 = arith.constant 80 : index
    %swap3A_301 = tpu.vector_load %arg6[%swap3A_299, %swap3A_300] {strides = array<i32>} : memref<4x128xi32, #tpu.memory_space<vmem>>, vector<1x16xi32>,
    %swap3A_302 = vector.shape_cast %swap3A_301 : vector<1x16xi32> to vector<16xi32>
    %swap3A_303 = vector.shape_cast %add3A_297 : vector<16xi32> to vector<1x16xi32>
    tpu.vector_store %arg6[%swap3A_299, %swap3A_300], %swap3A_303 {strides = array<i32>} : memref<4x128xi32, #tpu.memory_space<vmem>>, vector<1x16xi32>,
    %get3A_304 = arith.constant 1 : i32
    %get3A_305 = arith.index_cast %get3A_304 : i32 to index
    %get3A_306 = arith.constant 96 : index
    %get3A_307 = tpu.vector_load %arg6[%get3A_305, %get3A_306] {strides = array<i32>} : memref<4x128xi32, #tpu.memory_space<vmem>>, vector<1x16xi32>,
    %get3A_308 = vector.shape_cast %get3A_307 : vector<1x16xi32> to vector<16xi32>
    %get3A_309 = arith.constant 1 : i32
    %get3A_310 = arith.index_cast %get3A_309 : i32 to index
    %get3A_311 = arith.constant 96 : index
    %get3A_312 = tpu.vector_load %arg7[%get3A_310, %get3A_311] {strides = array<i32>} : memref<4x128xi32, #tpu.memory_space<vmem>>, vector<1x16xi32>,
    %get3A_313 = vector.shape_cast %get3A_312 : vector<1x16xi32> to vector<16xi32>
    %mul3A_314 = arith.constant 1000 : i32
    %mul3A_315 = vector.broadcast %mul3A_314 : i32 to vector<16xi32>
    %mul3A_316 = arith.muli %get3A_313, %mul3A_315 : vector<16xi32>
    %add3A_317 = arith.addi %get3A_308, %mul3A_316 : vector<16xi32>
    %swap3A_318 = arith.constant 1 : i32
    %swap3A_319 = arith.index_cast %swap3A_318 : i32 to index
    %swap3A_320 = arith.constant 96 : index
    %swap3A_321 = tpu.vector_load %arg6[%swap3A_319, %swap3A_320] {strides = array<i32>} : memref<4x128xi32, #tpu.memory_space<vmem>>, vector<1x16xi32>,
    %swap3A_322 = vector.shape_cast %swap3A_321 : vector<1x16xi32> to vector<16xi32>
    %swap3A_323 = vector.shape_cast %add3A_317 : vector<16xi32> to vector<1x16xi32>
    tpu.vector_store %arg6[%swap3A_319, %swap3A_320], %swap3A_323 {strides = array<i32>} : memref<4x128xi32, #tpu.memory_space<vmem>>, vector<1x16xi32>,
    %get3A_324 = arith.constant 1 : i32
    %get3A_325 = arith.index_cast %get3A_324 : i32 to index
    %get3A_326 = arith.constant 112 : index
    %get3A_327 = tpu.vector_load %arg6[%get3A_325, %get3A_326] {strides = array<i32>} : memref<4x128xi32, #tpu.memory_space<vmem>>, vector<1x16xi32>,
    %get3A_328 = vector.shape_cast %get3A_327 : vector<1x16xi32> to vector<16xi32>
    %get3A_329 = arith.constant 1 : i32
    %get3A_330 = arith.index_cast %get3A_329 : i32 to index
    %get3A_331 = arith.constant 112 : index
    %get3A_332 = tpu.vector_load %arg7[%get3A_330, %get3A_331] {strides = array<i32>} : memref<4x128xi32, #tpu.memory_space<vmem>>, vector<1x16xi32>,
    %get3A_333 = vector.shape_cast %get3A_332 : vector<1x16xi32> to vector<16xi32>
    %mul3A_334 = arith.constant 1000 : i32
    %mul3A_335 = vector.broadcast %mul3A_334 : i32 to vector<16xi32>
    %mul3A_336 = arith.muli %get3A_333, %mul3A_335 : vector<16xi32>
    %add3A_337 = arith.addi %get3A_328, %mul3A_336 : vector<16xi32>
    %swap3A_338 = arith.constant 1 : i32
    %swap3A_339 = arith.index_cast %swap3A_338 : i32 to index
    %swap3A_340 = arith.constant 112 : index
    %swap3A_341 = tpu.vector_load %arg6[%swap3A_339, %swap3A_340] {strides = array<i32>} : memref<4x128xi32, #tpu.memory_space<vmem>>, vector<1x16xi32>,
    %swap3A_342 = vector.shape_cast %swap3A_341 : vector<1x16xi32> to vector<16xi32>
    %swap3A_343 = vector.shape_cast %add3A_337 : vector<16xi32> to vector<1x16xi32>
    tpu.vector_store %arg6[%swap3A_339, %swap3A_340], %swap3A_343 {strides = array<i32>} : memref<4x128xi32, #tpu.memory_space<vmem>>, vector<1x16xi32>,
    %get3A_344 = arith.constant 2 : i32
    %get3A_345 = arith.index_cast %get3A_344 : i32 to index
    %get3A_346 = arith.constant 0 : index
    %get3A_347 = tpu.vector_load %arg6[%get3A_345, %get3A_346] {strides = array<i32>} : memref<4x128xi32, #tpu.memory_space<vmem>>, vector<1x16xi32>,
    %get3A_348 = vector.shape_cast %get3A_347 : vector<1x16xi32> to vector<16xi32>
    %get3A_349 = arith.constant 2 : i32
    %get3A_350 = arith.index_cast %get3A_349 : i32 to index
    %get3A_351 = arith.constant 0 : index
    %get3A_352 = tpu.vector_load %arg7[%get3A_350, %get3A_351] {strides = array<i32>} : memref<4x128xi32, #tpu.memory_space<vmem>>, vector<1x16xi32>,
    %get3A_353 = vector.shape_cast %get3A_352 : vector<1x16xi32> to vector<16xi32>
    %mul3A_354 = arith.constant 1000 : i32
    %mul3A_355 = vector.broadcast %mul3A_354 : i32 to vector<16xi32>
    %mul3A_356 = arith.muli %get3A_353, %mul3A_355 : vector<16xi32>
    %add3A_357 = arith.addi %get3A_348, %mul3A_356 : vector<16xi32>
    %swap3A_358 = arith.constant 2 : i32
    %swap3A_359 = arith.index_cast %swap3A_358 : i32 to index
    %swap3A_360 = arith.constant 0 : index
    %swap3A_361 = tpu.vector_load %arg6[%swap3A_359, %swap3A_360] {strides = array<i32>} : memref<4x128xi32, #tpu.memory_space<vmem>>, vector<1x16xi32>,
    %swap3A_362 = vector.shape_cast %swap3A_361 : vector<1x16xi32> to vector<16xi32>
    %swap3A_363 = vector.shape_cast %add3A_357 : vector<16xi32> to vector<1x16xi32>
    tpu.vector_store %arg6[%swap3A_359, %swap3A_360], %swap3A_363 {strides = array<i32>} : memref<4x128xi32, #tpu.memory_space<vmem>>, vector<1x16xi32>,
    %get3A_364 = arith.constant 2 : i32
    %get3A_365 = arith.index_cast %get3A_364 : i32 to index
    %get3A_366 = arith.constant 16 : index
    %get3A_367 = tpu.vector_load %arg6[%get3A_365, %get3A_366] {strides = array<i32>} : memref<4x128xi32, #tpu.memory_space<vmem>>, vector<1x16xi32>,
    %get3A_368 = vector.shape_cast %get3A_367 : vector<1x16xi32> to vector<16xi32>
    %get3A_369 = arith.constant 2 : i32
    %get3A_370 = arith.index_cast %get3A_369 : i32 to index
    %get3A_371 = arith.constant 16 : index
    %get3A_372 = tpu.vector_load %arg7[%get3A_370, %get3A_371] {strides = array<i32>} : memref<4x128xi32, #tpu.memory_space<vmem>>, vector<1x16xi32>,
    %get3A_373 = vector.shape_cast %get3A_372 : vector<1x16xi32> to vector<16xi32>
    %mul3A_374 = arith.constant 1000 : i32
    %mul3A_375 = vector.broadcast %mul3A_374 : i32 to vector<16xi32>
    %mul3A_376 = arith.muli %get3A_373, %mul3A_375 : vector<16xi32>
    %add3A_377 = arith.addi %get3A_368, %mul3A_376 : vector<16xi32>
    %swap3A_378 = arith.constant 2 : i32
    %swap3A_379 = arith.index_cast %swap3A_378 : i32 to index
    %swap3A_380 = arith.constant 16 : index
    %swap3A_381 = tpu.vector_load %arg6[%swap3A_379, %swap3A_380] {strides = array<i32>} : memref<4x128xi32, #tpu.memory_space<vmem>>, vector<1x16xi32>,
    %swap3A_382 = vector.shape_cast %swap3A_381 : vector<1x16xi32> to vector<16xi32>
    %swap3A_383 = vector.shape_cast %add3A_377 : vector<16xi32> to vector<1x16xi32>
    tpu.vector_store %arg6[%swap3A_379, %swap3A_380], %swap3A_383 {strides = array<i32>} : memref<4x128xi32, #tpu.memory_space<vmem>>, vector<1x16xi32>,
    %get3A_384 = arith.constant 2 : i32
    %get3A_385 = arith.index_cast %get3A_384 : i32 to index
    %get3A_386 = arith.constant 32 : index
    %get3A_387 = tpu.vector_load %arg6[%get3A_385, %get3A_386] {strides = array<i32>} : memref<4x128xi32, #tpu.memory_space<vmem>>, vector<1x16xi32>,
    %get3A_388 = vector.shape_cast %get3A_387 : vector<1x16xi32> to vector<16xi32>
    %get3A_389 = arith.constant 2 : i32
    %get3A_390 = arith.index_cast %get3A_389 : i32 to index
    %get3A_391 = arith.constant 32 : index
    %get3A_392 = tpu.vector_load %arg7[%get3A_390, %get3A_391] {strides = array<i32>} : memref<4x128xi32, #tpu.memory_space<vmem>>, vector<1x16xi32>,
    %get3A_393 = vector.shape_cast %get3A_392 : vector<1x16xi32> to vector<16xi32>
    %mul3A_394 = arith.constant 1000 : i32
    %mul3A_395 = vector.broadcast %mul3A_394 : i32 to vector<16xi32>
    %mul3A_396 = arith.muli %get3A_393, %mul3A_395 : vector<16xi32>
    %add3A_397 = arith.addi %get3A_388, %mul3A_396 : vector<16xi32>
    %swap3A_398 = arith.constant 2 : i32
    %swap3A_399 = arith.index_cast %swap3A_398 : i32 to index
    %swap3A_400 = arith.constant 32 : index
    %swap3A_401 = tpu.vector_load %arg6[%swap3A_399, %swap3A_400] {strides = array<i32>} : memref<4x128xi32, #tpu.memory_space<vmem>>, vector<1x16xi32>,
    %swap3A_402 = vector.shape_cast %swap3A_401 : vector<1x16xi32> to vector<16xi32>
    %swap3A_403 = vector.shape_cast %add3A_397 : vector<16xi32> to vector<1x16xi32>
    tpu.vector_store %arg6[%swap3A_399, %swap3A_400], %swap3A_403 {strides = array<i32>} : memref<4x128xi32, #tpu.memory_space<vmem>>, vector<1x16xi32>,
    %get3A_404 = arith.constant 2 : i32
    %get3A_405 = arith.index_cast %get3A_404 : i32 to index
    %get3A_406 = arith.constant 48 : index
    %get3A_407 = tpu.vector_load %arg6[%get3A_405, %get3A_406] {strides = array<i32>} : memref<4x128xi32, #tpu.memory_space<vmem>>, vector<1x16xi32>,
    %get3A_408 = vector.shape_cast %get3A_407 : vector<1x16xi32> to vector<16xi32>
    %get3A_409 = arith.constant 2 : i32
    %get3A_410 = arith.index_cast %get3A_409 : i32 to index
    %get3A_411 = arith.constant 48 : index
    %get3A_412 = tpu.vector_load %arg7[%get3A_410, %get3A_411] {strides = array<i32>} : memref<4x128xi32, #tpu.memory_space<vmem>>, vector<1x16xi32>,
    %get3A_413 = vector.shape_cast %get3A_412 : vector<1x16xi32> to vector<16xi32>
    %mul3A_414 = arith.constant 1000 : i32
    %mul3A_415 = vector.broadcast %mul3A_414 : i32 to vector<16xi32>
    %mul3A_416 = arith.muli %get3A_413, %mul3A_415 : vector<16xi32>
    %add3A_417 = arith.addi %get3A_408, %mul3A_416 : vector<16xi32>
    %swap3A_418 = arith.constant 2 : i32
    %swap3A_419 = arith.index_cast %swap3A_418 : i32 to index
    %swap3A_420 = arith.constant 48 : index
    %swap3A_421 = tpu.vector_load %arg6[%swap3A_419, %swap3A_420] {strides = array<i32>} : memref<4x128xi32, #tpu.memory_space<vmem>>, vector<1x16xi32>,
    %swap3A_422 = vector.shape_cast %swap3A_421 : vector<1x16xi32> to vector<16xi32>
    %swap3A_423 = vector.shape_cast %add3A_417 : vector<16xi32> to vector<1x16xi32>
    tpu.vector_store %arg6[%swap3A_419, %swap3A_420], %swap3A_423 {strides = array<i32>} : memref<4x128xi32, #tpu.memory_space<vmem>>, vector<1x16xi32>,
    %get3A_424 = arith.constant 2 : i32
    %get3A_425 = arith.index_cast %get3A_424 : i32 to index
    %get3A_426 = arith.constant 64 : index
    %get3A_427 = tpu.vector_load %arg6[%get3A_425, %get3A_426] {strides = array<i32>} : memref<4x128xi32, #tpu.memory_space<vmem>>, vector<1x16xi32>,
    %get3A_428 = vector.shape_cast %get3A_427 : vector<1x16xi32> to vector<16xi32>
    %get3A_429 = arith.constant 2 : i32
    %get3A_430 = arith.index_cast %get3A_429 : i32 to index
    %get3A_431 = arith.constant 64 : index
    %get3A_432 = tpu.vector_load %arg7[%get3A_430, %get3A_431] {strides = array<i32>} : memref<4x128xi32, #tpu.memory_space<vmem>>, vector<1x16xi32>,
    %get3A_433 = vector.shape_cast %get3A_432 : vector<1x16xi32> to vector<16xi32>
    %mul3A_434 = arith.constant 1000 : i32
    %mul3A_435 = vector.broadcast %mul3A_434 : i32 to vector<16xi32>
    %mul3A_436 = arith.muli %get3A_433, %mul3A_435 : vector<16xi32>
    %add3A_437 = arith.addi %get3A_428, %mul3A_436 : vector<16xi32>
    %swap3A_438 = arith.constant 2 : i32
    %swap3A_439 = arith.index_cast %swap3A_438 : i32 to index
    %swap3A_440 = arith.constant 64 : index
    %swap3A_441 = tpu.vector_load %arg6[%swap3A_439, %swap3A_440] {strides = array<i32>} : memref<4x128xi32, #tpu.memory_space<vmem>>, vector<1x16xi32>,
    %swap3A_442 = vector.shape_cast %swap3A_441 : vector<1x16xi32> to vector<16xi32>
    %swap3A_443 = vector.shape_cast %add3A_437 : vector<16xi32> to vector<1x16xi32>
    tpu.vector_store %arg6[%swap3A_439, %swap3A_440], %swap3A_443 {strides = array<i32>} : memref<4x128xi32, #tpu.memory_space<vmem>>, vector<1x16xi32>,
    %get3A_444 = arith.constant 2 : i32
    %get3A_445 = arith.index_cast %get3A_444 : i32 to index
    %get3A_446 = arith.constant 80 : index
    %get3A_447 = tpu.vector_load %arg6[%get3A_445, %get3A_446] {strides = array<i32>} : memref<4x128xi32, #tpu.memory_space<vmem>>, vector<1x16xi32>,
    %get3A_448 = vector.shape_cast %get3A_447 : vector<1x16xi32> to vector<16xi32>
    %get3A_449 = arith.constant 2 : i32
    %get3A_450 = arith.index_cast %get3A_449 : i32 to index
    %get3A_451 = arith.constant 80 : index
    %get3A_452 = tpu.vector_load %arg7[%get3A_450, %get3A_451] {strides = array<i32>} : memref<4x128xi32, #tpu.memory_space<vmem>>, vector<1x16xi32>,
    %get3A_453 = vector.shape_cast %get3A_452 : vector<1x16xi32> to vector<16xi32>
    %mul3A_454 = arith.constant 1000 : i32
    %mul3A_455 = vector.broadcast %mul3A_454 : i32 to vector<16xi32>
    %mul3A_456 = arith.muli %get3A_453, %mul3A_455 : vector<16xi32>
    %add3A_457 = arith.addi %get3A_448, %mul3A_456 : vector<16xi32>
    %swap3A_458 = arith.constant 2 : i32
    %swap3A_459 = arith.index_cast %swap3A_458 : i32 to index
    %swap3A_460 = arith.constant 80 : index
    %swap3A_461 = tpu.vector_load %arg6[%swap3A_459, %swap3A_460] {strides = array<i32>} : memref<4x128xi32, #tpu.memory_space<vmem>>, vector<1x16xi32>,
    %swap3A_462 = vector.shape_cast %swap3A_461 : vector<1x16xi32> to vector<16xi32>
    %swap3A_463 = vector.shape_cast %add3A_457 : vector<16xi32> to vector<1x16xi32>
    tpu.vector_store %arg6[%swap3A_459, %swap3A_460], %swap3A_463 {strides = array<i32>} : memref<4x128xi32, #tpu.memory_space<vmem>>, vector<1x16xi32>,
    %get3A_464 = arith.constant 2 : i32
    %get3A_465 = arith.index_cast %get3A_464 : i32 to index
    %get3A_466 = arith.constant 96 : index
    %get3A_467 = tpu.vector_load %arg6[%get3A_465, %get3A_466] {strides = array<i32>} : memref<4x128xi32, #tpu.memory_space<vmem>>, vector<1x16xi32>,
    %get3A_468 = vector.shape_cast %get3A_467 : vector<1x16xi32> to vector<16xi32>
    %get3A_469 = arith.constant 2 : i32
    %get3A_470 = arith.index_cast %get3A_469 : i32 to index
    %get3A_471 = arith.constant 96 : index
    %get3A_472 = tpu.vector_load %arg7[%get3A_470, %get3A_471] {strides = array<i32>} : memref<4x128xi32, #tpu.memory_space<vmem>>, vector<1x16xi32>,
    %get3A_473 = vector.shape_cast %get3A_472 : vector<1x16xi32> to vector<16xi32>
    %mul3A_474 = arith.constant 1000 : i32
    %mul3A_475 = vector.broadcast %mul3A_474 : i32 to vector<16xi32>
    %mul3A_476 = arith.muli %get3A_473, %mul3A_475 : vector<16xi32>
    %add3A_477 = arith.addi %get3A_468, %mul3A_476 : vector<16xi32>
    %swap3A_478 = arith.constant 2 : i32
    %swap3A_479 = arith.index_cast %swap3A_478 : i32 to index
    %swap3A_480 = arith.constant 96 : index
    %swap3A_481 = tpu.vector_load %arg6[%swap3A_479, %swap3A_480] {strides = array<i32>} : memref<4x128xi32, #tpu.memory_space<vmem>>, vector<1x16xi32>,
    %swap3A_482 = vector.shape_cast %swap3A_481 : vector<1x16xi32> to vector<16xi32>
    %swap3A_483 = vector.shape_cast %add3A_477 : vector<16xi32> to vector<1x16xi32>
    tpu.vector_store %arg6[%swap3A_479, %swap3A_480], %swap3A_483 {strides = array<i32>} : memref<4x128xi32, #tpu.memory_space<vmem>>, vector<1x16xi32>,
    %get3A_484 = arith.constant 2 : i32
    %get3A_485 = arith.index_cast %get3A_484 : i32 to index
    %get3A_486 = arith.constant 112 : index
    %get3A_487 = tpu.vector_load %arg6[%get3A_485, %get3A_486] {strides = array<i32>} : memref<4x128xi32, #tpu.memory_space<vmem>>, vector<1x16xi32>,
    %get3A_488 = vector.shape_cast %get3A_487 : vector<1x16xi32> to vector<16xi32>
    %get3A_489 = arith.constant 2 : i32
    %get3A_490 = arith.index_cast %get3A_489 : i32 to index
    %get3A_491 = arith.constant 112 : index
    %get3A_492 = tpu.vector_load %arg7[%get3A_490, %get3A_491] {strides = array<i32>} : memref<4x128xi32, #tpu.memory_space<vmem>>, vector<1x16xi32>,
    %get3A_493 = vector.shape_cast %get3A_492 : vector<1x16xi32> to vector<16xi32>
    %mul3A_494 = arith.constant 1000 : i32
    %mul3A_495 = vector.broadcast %mul3A_494 : i32 to vector<16xi32>
    %mul3A_496 = arith.muli %get3A_493, %mul3A_495 : vector<16xi32>
    %add3A_497 = arith.addi %get3A_488, %mul3A_496 : vector<16xi32>
    %swap3A_498 = arith.constant 2 : i32
    %swap3A_499 = arith.index_cast %swap3A_498 : i32 to index
    %swap3A_500 = arith.constant 112 : index
    %swap3A_501 = tpu.vector_load %arg6[%swap3A_499, %swap3A_500] {strides = array<i32>} : memref<4x128xi32, #tpu.memory_space<vmem>>, vector<1x16xi32>,
    %swap3A_502 = vector.shape_cast %swap3A_501 : vector<1x16xi32> to vector<16xi32>
    %swap3A_503 = vector.shape_cast %add3A_497 : vector<16xi32> to vector<1x16xi32>
    tpu.vector_store %arg6[%swap3A_499, %swap3A_500], %swap3A_503 {strides = array<i32>} : memref<4x128xi32, #tpu.memory_space<vmem>>, vector<1x16xi32>,
    %get3A_504 = arith.constant 3 : i32
    %get3A_505 = arith.index_cast %get3A_504 : i32 to index
    %get3A_506 = arith.constant 0 : index
    %get3A_507 = tpu.vector_load %arg6[%get3A_505, %get3A_506] {strides = array<i32>} : memref<4x128xi32, #tpu.memory_space<vmem>>, vector<1x16xi32>,
    %get3A_508 = vector.shape_cast %get3A_507 : vector<1x16xi32> to vector<16xi32>
    %get3A_509 = arith.constant 3 : i32
    %get3A_510 = arith.index_cast %get3A_509 : i32 to index
    %get3A_511 = arith.constant 0 : index
    %get3A_512 = tpu.vector_load %arg7[%get3A_510, %get3A_511] {strides = array<i32>} : memref<4x128xi32, #tpu.memory_space<vmem>>, vector<1x16xi32>,
    %get3A_513 = vector.shape_cast %get3A_512 : vector<1x16xi32> to vector<16xi32>
    %mul3A_514 = arith.constant 1000 : i32
    %mul3A_515 = vector.broadcast %mul3A_514 : i32 to vector<16xi32>
    %mul3A_516 = arith.muli %get3A_513, %mul3A_515 : vector<16xi32>
    %add3A_517 = arith.addi %get3A_508, %mul3A_516 : vector<16xi32>
    %swap3A_518 = arith.constant 3 : i32
    %swap3A_519 = arith.index_cast %swap3A_518 : i32 to index
    %swap3A_520 = arith.constant 0 : index
    %swap3A_521 = tpu.vector_load %arg6[%swap3A_519, %swap3A_520] {strides = array<i32>} : memref<4x128xi32, #tpu.memory_space<vmem>>, vector<1x16xi32>,
    %swap3A_522 = vector.shape_cast %swap3A_521 : vector<1x16xi32> to vector<16xi32>
    %swap3A_523 = vector.shape_cast %add3A_517 : vector<16xi32> to vector<1x16xi32>
    tpu.vector_store %arg6[%swap3A_519, %swap3A_520], %swap3A_523 {strides = array<i32>} : memref<4x128xi32, #tpu.memory_space<vmem>>, vector<1x16xi32>,
    %get3A_524 = arith.constant 3 : i32
    %get3A_525 = arith.index_cast %get3A_524 : i32 to index
    %get3A_526 = arith.constant 16 : index
    %get3A_527 = tpu.vector_load %arg6[%get3A_525, %get3A_526] {strides = array<i32>} : memref<4x128xi32, #tpu.memory_space<vmem>>, vector<1x16xi32>,
    %get3A_528 = vector.shape_cast %get3A_527 : vector<1x16xi32> to vector<16xi32>
    %get3A_529 = arith.constant 3 : i32
    %get3A_530 = arith.index_cast %get3A_529 : i32 to index
    %get3A_531 = arith.constant 16 : index
    %get3A_532 = tpu.vector_load %arg7[%get3A_530, %get3A_531] {strides = array<i32>} : memref<4x128xi32, #tpu.memory_space<vmem>>, vector<1x16xi32>,
    %get3A_533 = vector.shape_cast %get3A_532 : vector<1x16xi32> to vector<16xi32>
    %mul3A_534 = arith.constant 1000 : i32
    %mul3A_535 = vector.broadcast %mul3A_534 : i32 to vector<16xi32>
    %mul3A_536 = arith.muli %get3A_533, %mul3A_535 : vector<16xi32>
    %add3A_537 = arith.addi %get3A_528, %mul3A_536 : vector<16xi32>
    %swap3A_538 = arith.constant 3 : i32
    %swap3A_539 = arith.index_cast %swap3A_538 : i32 to index
    %swap3A_540 = arith.constant 16 : index
    %swap3A_541 = tpu.vector_load %arg6[%swap3A_539, %swap3A_540] {strides = array<i32>} : memref<4x128xi32, #tpu.memory_space<vmem>>, vector<1x16xi32>,
    %swap3A_542 = vector.shape_cast %swap3A_541 : vector<1x16xi32> to vector<16xi32>
    %swap3A_543 = vector.shape_cast %add3A_537 : vector<16xi32> to vector<1x16xi32>
    tpu.vector_store %arg6[%swap3A_539, %swap3A_540], %swap3A_543 {strides = array<i32>} : memref<4x128xi32, #tpu.memory_space<vmem>>, vector<1x16xi32>,
    %get3A_544 = arith.constant 3 : i32
    %get3A_545 = arith.index_cast %get3A_544 : i32 to index
    %get3A_546 = arith.constant 32 : index
    %get3A_547 = tpu.vector_load %arg6[%get3A_545, %get3A_546] {strides = array<i32>} : memref<4x128xi32, #tpu.memory_space<vmem>>, vector<1x16xi32>,
    %get3A_548 = vector.shape_cast %get3A_547 : vector<1x16xi32> to vector<16xi32>
    %get3A_549 = arith.constant 3 : i32
    %get3A_550 = arith.index_cast %get3A_549 : i32 to index
    %get3A_551 = arith.constant 32 : index
    %get3A_552 = tpu.vector_load %arg7[%get3A_550, %get3A_551] {strides = array<i32>} : memref<4x128xi32, #tpu.memory_space<vmem>>, vector<1x16xi32>,
    %get3A_553 = vector.shape_cast %get3A_552 : vector<1x16xi32> to vector<16xi32>
    %mul3A_554 = arith.constant 1000 : i32
    %mul3A_555 = vector.broadcast %mul3A_554 : i32 to vector<16xi32>
    %mul3A_556 = arith.muli %get3A_553, %mul3A_555 : vector<16xi32>
    %add3A_557 = arith.addi %get3A_548, %mul3A_556 : vector<16xi32>
    %swap3A_558 = arith.constant 3 : i32
    %swap3A_559 = arith.index_cast %swap3A_558 : i32 to index
    %swap3A_560 = arith.constant 32 : index
    %swap3A_561 = tpu.vector_load %arg6[%swap3A_559, %swap3A_560] {strides = array<i32>} : memref<4x128xi32, #tpu.memory_space<vmem>>, vector<1x16xi32>,
    %swap3A_562 = vector.shape_cast %swap3A_561 : vector<1x16xi32> to vector<16xi32>
    %swap3A_563 = vector.shape_cast %add3A_557 : vector<16xi32> to vector<1x16xi32>
    tpu.vector_store %arg6[%swap3A_559, %swap3A_560], %swap3A_563 {strides = array<i32>} : memref<4x128xi32, #tpu.memory_space<vmem>>, vector<1x16xi32>,
    %get3A_564 = arith.constant 3 : i32
    %get3A_565 = arith.index_cast %get3A_564 : i32 to index
    %get3A_566 = arith.constant 48 : index
    %get3A_567 = tpu.vector_load %arg6[%get3A_565, %get3A_566] {strides = array<i32>} : memref<4x128xi32, #tpu.memory_space<vmem>>, vector<1x16xi32>,
    %get3A_568 = vector.shape_cast %get3A_567 : vector<1x16xi32> to vector<16xi32>
    %get3A_569 = arith.constant 3 : i32
    %get3A_570 = arith.index_cast %get3A_569 : i32 to index
    %get3A_571 = arith.constant 48 : index
    %get3A_572 = tpu.vector_load %arg7[%get3A_570, %get3A_571] {strides = array<i32>} : memref<4x128xi32, #tpu.memory_space<vmem>>, vector<1x16xi32>,
    %get3A_573 = vector.shape_cast %get3A_572 : vector<1x16xi32> to vector<16xi32>
    %mul3A_574 = arith.constant 1000 : i32
    %mul3A_575 = vector.broadcast %mul3A_574 : i32 to vector<16xi32>
    %mul3A_576 = arith.muli %get3A_573, %mul3A_575 : vector<16xi32>
    %add3A_577 = arith.addi %get3A_568, %mul3A_576 : vector<16xi32>
    %swap3A_578 = arith.constant 3 : i32
    %swap3A_579 = arith.index_cast %swap3A_578 : i32 to index
    %swap3A_580 = arith.constant 48 : index
    %swap3A_581 = tpu.vector_load %arg6[%swap3A_579, %swap3A_580] {strides = array<i32>} : memref<4x128xi32, #tpu.memory_space<vmem>>, vector<1x16xi32>,
    %swap3A_582 = vector.shape_cast %swap3A_581 : vector<1x16xi32> to vector<16xi32>
    %swap3A_583 = vector.shape_cast %add3A_577 : vector<16xi32> to vector<1x16xi32>
    tpu.vector_store %arg6[%swap3A_579, %swap3A_580], %swap3A_583 {strides = array<i32>} : memref<4x128xi32, #tpu.memory_space<vmem>>, vector<1x16xi32>,
    %get3A_584 = arith.constant 3 : i32
    %get3A_585 = arith.index_cast %get3A_584 : i32 to index
    %get3A_586 = arith.constant 64 : index
    %get3A_587 = tpu.vector_load %arg6[%get3A_585, %get3A_586] {strides = array<i32>} : memref<4x128xi32, #tpu.memory_space<vmem>>, vector<1x16xi32>,
    %get3A_588 = vector.shape_cast %get3A_587 : vector<1x16xi32> to vector<16xi32>
    %get3A_589 = arith.constant 3 : i32
    %get3A_590 = arith.index_cast %get3A_589 : i32 to index
    %get3A_591 = arith.constant 64 : index
    %get3A_592 = tpu.vector_load %arg7[%get3A_590, %get3A_591] {strides = array<i32>} : memref<4x128xi32, #tpu.memory_space<vmem>>, vector<1x16xi32>,
    %get3A_593 = vector.shape_cast %get3A_592 : vector<1x16xi32> to vector<16xi32>
    %mul3A_594 = arith.constant 1000 : i32
    %mul3A_595 = vector.broadcast %mul3A_594 : i32 to vector<16xi32>
    %mul3A_596 = arith.muli %get3A_593, %mul3A_595 : vector<16xi32>
    %add3A_597 = arith.addi %get3A_588, %mul3A_596 : vector<16xi32>
    %swap3A_598 = arith.constant 3 : i32
    %swap3A_599 = arith.index_cast %swap3A_598 : i32 to index
    %swap3A_600 = arith.constant 64 : index
    %swap3A_601 = tpu.vector_load %arg6[%swap3A_599, %swap3A_600] {strides = array<i32>} : memref<4x128xi32, #tpu.memory_space<vmem>>, vector<1x16xi32>,
    %swap3A_602 = vector.shape_cast %swap3A_601 : vector<1x16xi32> to vector<16xi32>
    %swap3A_603 = vector.shape_cast %add3A_597 : vector<16xi32> to vector<1x16xi32>
    tpu.vector_store %arg6[%swap3A_599, %swap3A_600], %swap3A_603 {strides = array<i32>} : memref<4x128xi32, #tpu.memory_space<vmem>>, vector<1x16xi32>,
    %get3A_604 = arith.constant 3 : i32
    %get3A_605 = arith.index_cast %get3A_604 : i32 to index
    %get3A_606 = arith.constant 80 : index
    %get3A_607 = tpu.vector_load %arg6[%get3A_605, %get3A_606] {strides = array<i32>} : memref<4x128xi32, #tpu.memory_space<vmem>>, vector<1x16xi32>,
    %get3A_608 = vector.shape_cast %get3A_607 : vector<1x16xi32> to vector<16xi32>
    %get3A_609 = arith.constant 3 : i32
    %get3A_610 = arith.index_cast %get3A_609 : i32 to index
    %get3A_611 = arith.constant 80 : index
    %get3A_612 = tpu.vector_load %arg7[%get3A_610, %get3A_611] {strides = array<i32>} : memref<4x128xi32, #tpu.memory_space<vmem>>, vector<1x16xi32>,
    %get3A_613 = vector.shape_cast %get3A_612 : vector<1x16xi32> to vector<16xi32>
    %mul3A_614 = arith.constant 1000 : i32
    %mul3A_615 = vector.broadcast %mul3A_614 : i32 to vector<16xi32>
    %mul3A_616 = arith.muli %get3A_613, %mul3A_615 : vector<16xi32>
    %add3A_617 = arith.addi %get3A_608, %mul3A_616 : vector<16xi32>
    %swap3A_618 = arith.constant 3 : i32
    %swap3A_619 = arith.index_cast %swap3A_618 : i32 to index
    %swap3A_620 = arith.constant 80 : index
    %swap3A_621 = tpu.vector_load %arg6[%swap3A_619, %swap3A_620] {strides = array<i32>} : memref<4x128xi32, #tpu.memory_space<vmem>>, vector<1x16xi32>,
    %swap3A_622 = vector.shape_cast %swap3A_621 : vector<1x16xi32> to vector<16xi32>
    %swap3A_623 = vector.shape_cast %add3A_617 : vector<16xi32> to vector<1x16xi32>
    tpu.vector_store %arg6[%swap3A_619, %swap3A_620], %swap3A_623 {strides = array<i32>} : memref<4x128xi32, #tpu.memory_space<vmem>>, vector<1x16xi32>,
    %get3A_624 = arith.constant 3 : i32
    %get3A_625 = arith.index_cast %get3A_624 : i32 to index
    %get3A_626 = arith.constant 96 : index
    %get3A_627 = tpu.vector_load %arg6[%get3A_625, %get3A_626] {strides = array<i32>} : memref<4x128xi32, #tpu.memory_space<vmem>>, vector<1x16xi32>,
    %get3A_628 = vector.shape_cast %get3A_627 : vector<1x16xi32> to vector<16xi32>
    %get3A_629 = arith.constant 3 : i32
    %get3A_630 = arith.index_cast %get3A_629 : i32 to index
    %get3A_631 = arith.constant 96 : index
    %get3A_632 = tpu.vector_load %arg7[%get3A_630, %get3A_631] {strides = array<i32>} : memref<4x128xi32, #tpu.memory_space<vmem>>, vector<1x16xi32>,
    %get3A_633 = vector.shape_cast %get3A_632 : vector<1x16xi32> to vector<16xi32>
    %mul3A_634 = arith.constant 1000 : i32
    %mul3A_635 = vector.broadcast %mul3A_634 : i32 to vector<16xi32>
    %mul3A_636 = arith.muli %get3A_633, %mul3A_635 : vector<16xi32>
    %add3A_637 = arith.addi %get3A_628, %mul3A_636 : vector<16xi32>
    %swap3A_638 = arith.constant 3 : i32
    %swap3A_639 = arith.index_cast %swap3A_638 : i32 to index
    %swap3A_640 = arith.constant 96 : index
    %swap3A_641 = tpu.vector_load %arg6[%swap3A_639, %swap3A_640] {strides = array<i32>} : memref<4x128xi32, #tpu.memory_space<vmem>>, vector<1x16xi32>,
    %swap3A_642 = vector.shape_cast %swap3A_641 : vector<1x16xi32> to vector<16xi32>
    %swap3A_643 = vector.shape_cast %add3A_637 : vector<16xi32> to vector<1x16xi32>
    tpu.vector_store %arg6[%swap3A_639, %swap3A_640], %swap3A_643 {strides = array<i32>} : memref<4x128xi32, #tpu.memory_space<vmem>>, vector<1x16xi32>,
    %get3A_644 = arith.constant 3 : i32
    %get3A_645 = arith.index_cast %get3A_644 : i32 to index
    %get3A_646 = arith.constant 112 : index
    %get3A_647 = tpu.vector_load %arg6[%get3A_645, %get3A_646] {strides = array<i32>} : memref<4x128xi32, #tpu.memory_space<vmem>>, vector<1x16xi32>,
    %get3A_648 = vector.shape_cast %get3A_647 : vector<1x16xi32> to vector<16xi32>
    %get3A_649 = arith.constant 3 : i32
    %get3A_650 = arith.index_cast %get3A_649 : i32 to index
    %get3A_651 = arith.constant 112 : index
    %get3A_652 = tpu.vector_load %arg7[%get3A_650, %get3A_651] {strides = array<i32>} : memref<4x128xi32, #tpu.memory_space<vmem>>, vector<1x16xi32>,
    %get3A_653 = vector.shape_cast %get3A_652 : vector<1x16xi32> to vector<16xi32>
    %mul3A_654 = arith.constant 1000 : i32
    %mul3A_655 = vector.broadcast %mul3A_654 : i32 to vector<16xi32>
    %mul3A_656 = arith.muli %get3A_653, %mul3A_655 : vector<16xi32>
    %add3A_657 = arith.addi %get3A_648, %mul3A_656 : vector<16xi32>
    %swap3A_658 = arith.constant 3 : i32
    %swap3A_659 = arith.index_cast %swap3A_658 : i32 to index
    %swap3A_660 = arith.constant 112 : index
    %swap3A_661 = tpu.vector_load %arg6[%swap3A_659, %swap3A_660] {strides = array<i32>} : memref<4x128xi32, #tpu.memory_space<vmem>>, vector<1x16xi32>,
    %swap3A_662 = vector.shape_cast %swap3A_661 : vector<1x16xi32> to vector<16xi32>
    %swap3A_663 = vector.shape_cast %add3A_657 : vector<16xi32> to vector<1x16xi32>
    tpu.vector_store %arg6[%swap3A_659, %swap3A_660], %swap3A_663 {strides = array<i32>} : memref<4x128xi32, #tpu.memory_space<vmem>>, vector<1x16xi32>,
    %dma_start3A = arith.constant 0 : i32
    %dma_start3A_664 = arith.constant 0 : i32
    %dma_start3A_665 = arith.constant 0 : i32
    %dma_start3A_666 = tpu.memref_slice %arg8[%dma_start3A_664, %dma_start3A_665] : memref<4x128xf32, #tpu.memory_space<vmem>> -> memref<1x128xf32, #tpu.memory_space<vmem>>
    %dma_start3A_667 = tpu.memref_squeeze %dma_start3A_666 : memref<1x128xf32, #tpu.memory_space<vmem>> -> memref<128xf32, #tpu.memory_space<vmem>>
    %dma_start3A_668 = arith.constant 0 : i32
    %dma_start3A_669 = tpu.memref_slice %arg6[%dma_start3A, %dma_start3A_668] : memref<4x128xi32, #tpu.memory_space<vmem>> -> memref<1x128xi32, #tpu.memory_space<vmem>>
    %dma_start3A_670 = tpu.memref_squeeze %dma_start3A_669 : memref<1x128xi32, #tpu.memory_space<vmem>> -> memref<128xi32, #tpu.memory_space<vmem>>
    %dma_start3A_671 = arith.constant 0 : i32
    %dma_start3A_672 = tpu.memref_slice %arg4[%dma_start3A_671] : memref<4000000xf32, #tpu.memory_space<hbm>> -> memref<4000000xf32, #tpu.memory_space<hbm>>
    tpu.enqueue_indirect_dma source(%dma_start3A_672 : memref<4000000xf32, #tpu.memory_space<hbm>>) target(%dma_start3A_667 : memref<128xf32, #tpu.memory_space<vmem>>) offsets(%dma_start3A_670 : memref<128xi32, #tpu.memory_space<vmem>>) semaphore(%arg9 : memref<!tpu.dma_semaphore, #tpu.memory_space<semaphore_mem>>)
    %dma_start3A_673 = arith.constant 1 : i32
    %dma_start3A_674 = arith.constant 1 : i32
    %dma_start3A_675 = arith.constant 0 : i32
    %dma_start3A_676 = tpu.memref_slice %arg8[%dma_start3A_674, %dma_start3A_675] : memref<4x128xf32, #tpu.memory_space<vmem>> -> memref<1x128xf32, #tpu.memory_space<vmem>>
    %dma_start3A_677 = tpu.memref_squeeze %dma_start3A_676 : memref<1x128xf32, #tpu.memory_space<vmem>> -> memref<128xf32, #tpu.memory_space<vmem>>
    %dma_start3A_678 = arith.constant 0 : i32
    %dma_start3A_679 = tpu.memref_slice %arg6[%dma_start3A_673, %dma_start3A_678] : memref<4x128xi32, #tpu.memory_space<vmem>> -> memref<1x128xi32, #tpu.memory_space<vmem>>
    %dma_start3A_680 = tpu.memref_squeeze %dma_start3A_679 : memref<1x128xi32, #tpu.memory_space<vmem>> -> memref<128xi32, #tpu.memory_space<vmem>>
    %dma_start3A_681 = arith.constant 0 : i32
    %dma_start3A_682 = tpu.memref_slice %arg4[%dma_start3A_681] : memref<4000000xf32, #tpu.memory_space<hbm>> -> memref<4000000xf32, #tpu.memory_space<hbm>>
    tpu.enqueue_indirect_dma source(%dma_start3A_682 : memref<4000000xf32, #tpu.memory_space<hbm>>) target(%dma_start3A_677 : memref<128xf32, #tpu.memory_space<vmem>>) offsets(%dma_start3A_680 : memref<128xi32, #tpu.memory_space<vmem>>) semaphore(%arg9 : memref<!tpu.dma_semaphore, #tpu.memory_space<semaphore_mem>>)
    %dma_start3A_683 = arith.constant 2 : i32
    %dma_start3A_684 = arith.constant 2 : i32
    %dma_start3A_685 = arith.constant 0 : i32
    %dma_start3A_686 = tpu.memref_slice %arg8[%dma_start3A_684, %dma_start3A_685] : memref<4x128xf32, #tpu.memory_space<vmem>> -> memref<1x128xf32, #tpu.memory_space<vmem>>
    %dma_start3A_687 = tpu.memref_squeeze %dma_start3A_686 : memref<1x128xf32, #tpu.memory_space<vmem>> -> memref<128xf32, #tpu.memory_space<vmem>>
    %dma_start3A_688 = arith.constant 0 : i32
    %dma_start3A_689 = tpu.memref_slice %arg6[%dma_start3A_683, %dma_start3A_688] : memref<4x128xi32, #tpu.memory_space<vmem>> -> memref<1x128xi32, #tpu.memory_space<vmem>>
    %dma_start3A_690 = tpu.memref_squeeze %dma_start3A_689 : memref<1x128xi32, #tpu.memory_space<vmem>> -> memref<128xi32, #tpu.memory_space<vmem>>
    %dma_start3A_691 = arith.constant 0 : i32
    %dma_start3A_692 = tpu.memref_slice %arg4[%dma_start3A_691] : memref<4000000xf32, #tpu.memory_space<hbm>> -> memref<4000000xf32, #tpu.memory_space<hbm>>
    tpu.enqueue_indirect_dma source(%dma_start3A_692 : memref<4000000xf32, #tpu.memory_space<hbm>>) target(%dma_start3A_687 : memref<128xf32, #tpu.memory_space<vmem>>) offsets(%dma_start3A_690 : memref<128xi32, #tpu.memory_space<vmem>>) semaphore(%arg9 : memref<!tpu.dma_semaphore, #tpu.memory_space<semaphore_mem>>)
    %dma_start3A_693 = arith.constant 3 : i32
    %dma_start3A_694 = arith.constant 3 : i32
    %dma_start3A_695 = arith.constant 0 : i32
    %dma_start3A_696 = tpu.memref_slice %arg8[%dma_start3A_694, %dma_start3A_695] : memref<4x128xf32, #tpu.memory_space<vmem>> -> memref<1x128xf32, #tpu.memory_space<vmem>>
    %dma_start3A_697 = tpu.memref_squeeze %dma_start3A_696 : memref<1x128xf32, #tpu.memory_space<vmem>> -> memref<128xf32, #tpu.memory_space<vmem>>
    %dma_start3A_698 = arith.constant 0 : i32
    %dma_start3A_699 = tpu.memref_slice %arg6[%dma_start3A_693, %dma_start3A_698] : memref<4x128xi32, #tpu.memory_space<vmem>> -> memref<1x128xi32, #tpu.memory_space<vmem>>
    %dma_start3A_700 = tpu.memref_squeeze %dma_start3A_699 : memref<1x128xi32, #tpu.memory_space<vmem>> -> memref<128xi32, #tpu.memory_space<vmem>>
    %dma_start3A_701 = arith.constant 0 : i32
    %dma_start3A_702 = tpu.memref_slice %arg4[%dma_start3A_701] : memref<4000000xf32, #tpu.memory_space<hbm>> -> memref<4000000xf32, #tpu.memory_space<hbm>>
    tpu.enqueue_indirect_dma source(%dma_start3A_702 : memref<4000000xf32, #tpu.memory_space<hbm>>) target(%dma_start3A_697 : memref<128xf32, #tpu.memory_space<vmem>>) offsets(%dma_start3A_700 : memref<128xi32, #tpu.memory_space<vmem>>) semaphore(%arg9 : memref<!tpu.dma_semaphore, #tpu.memory_space<semaphore_mem>>)
    %dma_wait3A = arith.constant 0 : i32
    %dma_wait3A_703 = arith.constant 0 : i32
    %dma_wait3A_704 = arith.constant 0 : i32
    %dma_wait3A_705 = tpu.memref_slice %arg8[%dma_wait3A_703, %dma_wait3A_704] : memref<4x128xf32, #tpu.memory_space<vmem>> -> memref<1x128xf32, #tpu.memory_space<vmem>>
    %dma_wait3A_706 = tpu.memref_squeeze %dma_wait3A_705 : memref<1x128xf32, #tpu.memory_space<vmem>> -> memref<128xf32, #tpu.memory_space<vmem>>
    %dma_wait3A_707 = arith.constant 0 : i32
    %dma_wait3A_708 = tpu.memref_slice %arg6[%dma_wait3A, %dma_wait3A_707] : memref<4x128xi32, #tpu.memory_space<vmem>> -> memref<1x128xi32, #tpu.memory_space<vmem>>
    %dma_wait3A_709 = tpu.memref_squeeze %dma_wait3A_708 : memref<1x128xi32, #tpu.memory_space<vmem>> -> memref<128xi32, #tpu.memory_space<vmem>>
    %dma_wait3A_710 = arith.constant 0 : i32
    %dma_wait3A_711 = tpu.memref_slice %arg4[%dma_wait3A_710] : memref<4000000xf32, #tpu.memory_space<hbm>> -> memref<4000000xf32, #tpu.memory_space<hbm>>
    tpu.wait_indirect_dma semaphore(%arg9 : memref<!tpu.dma_semaphore, #tpu.memory_space<semaphore_mem>>) src(%dma_wait3A_711 : memref<4000000xf32, #tpu.memory_space<hbm>>) dst(%dma_wait3A_706 : memref<128xf32, #tpu.memory_space<vmem>>)
    %dma_wait3A_712 = arith.constant 1 : i32
    %dma_wait3A_713 = arith.constant 1 : i32
    %dma_wait3A_714 = arith.constant 0 : i32
    %dma_wait3A_715 = tpu.memref_slice %arg8[%dma_wait3A_713, %dma_wait3A_714] : memref<4x128xf32, #tpu.memory_space<vmem>> -> memref<1x128xf32, #tpu.memory_space<vmem>>
    %dma_wait3A_716 = tpu.memref_squeeze %dma_wait3A_715 : memref<1x128xf32, #tpu.memory_space<vmem>> -> memref<128xf32, #tpu.memory_space<vmem>>
    %dma_wait3A_717 = arith.constant 0 : i32
    %dma_wait3A_718 = tpu.memref_slice %arg6[%dma_wait3A_712, %dma_wait3A_717] : memref<4x128xi32, #tpu.memory_space<vmem>> -> memref<1x128xi32, #tpu.memory_space<vmem>>
    %dma_wait3A_719 = tpu.memref_squeeze %dma_wait3A_718 : memref<1x128xi32, #tpu.memory_space<vmem>> -> memref<128xi32, #tpu.memory_space<vmem>>
    %dma_wait3A_720 = arith.constant 0 : i32
    %dma_wait3A_721 = tpu.memref_slice %arg4[%dma_wait3A_720] : memref<4000000xf32, #tpu.memory_space<hbm>> -> memref<4000000xf32, #tpu.memory_space<hbm>>
    tpu.wait_indirect_dma semaphore(%arg9 : memref<!tpu.dma_semaphore, #tpu.memory_space<semaphore_mem>>) src(%dma_wait3A_721 : memref<4000000xf32, #tpu.memory_space<hbm>>) dst(%dma_wait3A_716 : memref<128xf32, #tpu.memory_space<vmem>>)
    %dma_wait3A_722 = arith.constant 2 : i32
    %dma_wait3A_723 = arith.constant 2 : i32
    %dma_wait3A_724 = arith.constant 0 : i32
    %dma_wait3A_725 = tpu.memref_slice %arg8[%dma_wait3A_723, %dma_wait3A_724] : memref<4x128xf32, #tpu.memory_space<vmem>> -> memref<1x128xf32, #tpu.memory_space<vmem>>
    %dma_wait3A_726 = tpu.memref_squeeze %dma_wait3A_725 : memref<1x128xf32, #tpu.memory_space<vmem>> -> memref<128xf32, #tpu.memory_space<vmem>>
    %dma_wait3A_727 = arith.constant 0 : i32
    %dma_wait3A_728 = tpu.memref_slice %arg6[%dma_wait3A_722, %dma_wait3A_727] : memref<4x128xi32, #tpu.memory_space<vmem>> -> memref<1x128xi32, #tpu.memory_space<vmem>>
    %dma_wait3A_729 = tpu.memref_squeeze %dma_wait3A_728 : memref<1x128xi32, #tpu.memory_space<vmem>> -> memref<128xi32, #tpu.memory_space<vmem>>
    %dma_wait3A_730 = arith.constant 0 : i32
    %dma_wait3A_731 = tpu.memref_slice %arg4[%dma_wait3A_730] : memref<4000000xf32, #tpu.memory_space<hbm>> -> memref<4000000xf32, #tpu.memory_space<hbm>>
    tpu.wait_indirect_dma semaphore(%arg9 : memref<!tpu.dma_semaphore, #tpu.memory_space<semaphore_mem>>) src(%dma_wait3A_731 : memref<4000000xf32, #tpu.memory_space<hbm>>) dst(%dma_wait3A_726 : memref<128xf32, #tpu.memory_space<vmem>>)
    %dma_wait3A_732 = arith.constant 3 : i32
    %dma_wait3A_733 = arith.constant 3 : i32
    %dma_wait3A_734 = arith.constant 0 : i32
    %dma_wait3A_735 = tpu.memref_slice %arg8[%dma_wait3A_733, %dma_wait3A_734] : memref<4x128xf32, #tpu.memory_space<vmem>> -> memref<1x128xf32, #tpu.memory_space<vmem>>
    %dma_wait3A_736 = tpu.memref_squeeze %dma_wait3A_735 : memref<1x128xf32, #tpu.memory_space<vmem>> -> memref<128xf32, #tpu.memory_space<vmem>>
    %dma_wait3A_737 = arith.constant 0 : i32
    %dma_wait3A_738 = tpu.memref_slice %arg6[%dma_wait3A_732, %dma_wait3A_737] : memref<4x128xi32, #tpu.memory_space<vmem>> -> memref<1x128xi32, #tpu.memory_space<vmem>>
    %dma_wait3A_739 = tpu.memref_squeeze %dma_wait3A_738 : memref<1x128xi32, #tpu.memory_space<vmem>> -> memref<128xi32, #tpu.memory_space<vmem>>
    %dma_wait3A_740 = arith.constant 0 : i32
    %dma_wait3A_741 = tpu.memref_slice %arg4[%dma_wait3A_740] : memref<4000000xf32, #tpu.memory_space<hbm>> -> memref<4000000xf32, #tpu.memory_space<hbm>>
    tpu.wait_indirect_dma semaphore(%arg9 : memref<!tpu.dma_semaphore, #tpu.memory_space<semaphore_mem>>) src(%dma_wait3A_741 : memref<4000000xf32, #tpu.memory_space<hbm>>) dst(%dma_wait3A_736 : memref<128xf32, #tpu.memory_space<vmem>>)
    %add3A_742 = arith.constant 0 : i32
    %add3A_743 = arith.addi %mul3A_2, %add3A_742 : i32
    %run_scoped3A_744 = arith.constant 0 : i32
    "tpu.region"() ({
      %run_scoped3A_754 = tpu.sem_alloc : memref<!tpu.dma_semaphore, #tpu.memory_space<semaphore_mem>>
      %dma_start3A_755 = arith.constant 0 : i32
      %dma_start3A_756 = tpu.memref_slice %arg8[%run_scoped3A_744, %dma_start3A_755] : memref<4x128xf32, #tpu.memory_space<vmem>> -> memref<1x128xf32, #tpu.memory_space<vmem>>
      %dma_start3A_757 = tpu.memref_squeeze %dma_start3A_756 : memref<1x128xf32, #tpu.memory_space<vmem>> -> memref<128xf32, #tpu.memory_space<vmem>>
      %dma_start3A_758 = tpu.memref_slice %arg5[%add3A_743] : memref<16384xf32, #tpu.memory_space<hbm>> -> memref<128xf32, #tpu.memory_space<hbm>>
      %dma_start3A_759 = tpu.memref_slice %arg5[%add3A_743] : memref<16384xf32, #tpu.memory_space<hbm>> -> memref<128xf32, #tpu.memory_space<hbm>>
      %dma_start3A_760 = arith.constant 0 : i32
      %dma_start3A_761 = tpu.memref_slice %arg8[%run_scoped3A_744, %dma_start3A_760] : memref<4x128xf32, #tpu.memory_space<vmem>> -> memref<1x128xf32, #tpu.memory_space<vmem>>
      %dma_start3A_762 = tpu.memref_squeeze %dma_start3A_761 : memref<1x128xf32, #tpu.memory_space<vmem>> -> memref<128xf32, #tpu.memory_space<vmem>>
      tpu.enqueue_dma source(%dma_start3A_762 : memref<128xf32, #tpu.memory_space<vmem>>) target(%dma_start3A_759 : memref<128xf32, #tpu.memory_space<hbm>>) target_semaphore(%run_scoped3A_754 : memref<!tpu.dma_semaphore, #tpu.memory_space<semaphore_mem>>)
      %dma_wait3A_763 = arith.constant 0 : i32
      %dma_wait3A_764 = tpu.memref_slice %arg8[%run_scoped3A_744, %dma_wait3A_763] : memref<4x128xf32, #tpu.memory_space<vmem>> -> memref<1x128xf32, #tpu.memory_space<vmem>>
      %dma_wait3A_765 = tpu.memref_squeeze %dma_wait3A_764 : memref<1x128xf32, #tpu.memory_space<vmem>> -> memref<128xf32, #tpu.memory_space<vmem>>
      %dma_wait3A_766 = tpu.memref_slice %arg5[%add3A_743] : memref<16384xf32, #tpu.memory_space<hbm>> -> memref<128xf32, #tpu.memory_space<hbm>>
      %dma_wait3A_767 = tpu.memref_slice %arg5[%add3A_743] : memref<16384xf32, #tpu.memory_space<hbm>> -> memref<128xf32, #tpu.memory_space<hbm>>
      %dma_wait3A_768 = arith.constant 0 : i32
      %dma_wait3A_769 = tpu.memref_slice %arg8[%run_scoped3A_744, %dma_wait3A_768] : memref<4x128xf32, #tpu.memory_space<vmem>> -> memref<1x128xf32, #tpu.memory_space<vmem>>
      %dma_wait3A_770 = tpu.memref_squeeze %dma_wait3A_769 : memref<1x128xf32, #tpu.memory_space<vmem>> -> memref<128xf32, #tpu.memory_space<vmem>>
      tpu.wait_dma2 semaphore(%run_scoped3A_754 : memref<!tpu.dma_semaphore, #tpu.memory_space<semaphore_mem>>) src(%dma_wait3A_770 : memref<128xf32, #tpu.memory_space<vmem>>) dst(%dma_wait3A_767 : memref<128xf32, #tpu.memory_space<hbm>>)
      tpu.yield
    }) : () -> ()
    %add3A_745 = arith.constant 128 : i32
    %add3A_746 = arith.addi %mul3A_2, %add3A_745 : i32
    %run_scoped3A_747 = arith.constant 1 : i32
    "tpu.region"() ({
      %run_scoped3A_754 = tpu.sem_alloc : memref<!tpu.dma_semaphore, #tpu.memory_space<semaphore_mem>>
      %dma_start3A_755 = arith.constant 0 : i32
      %dma_start3A_756 = tpu.memref_slice %arg8[%run_scoped3A_747, %dma_start3A_755] : memref<4x128xf32, #tpu.memory_space<vmem>> -> memref<1x128xf32, #tpu.memory_space<vmem>>
      %dma_start3A_757 = tpu.memref_squeeze %dma_start3A_756 : memref<1x128xf32, #tpu.memory_space<vmem>> -> memref<128xf32, #tpu.memory_space<vmem>>
      %dma_start3A_758 = tpu.memref_slice %arg5[%add3A_746] : memref<16384xf32, #tpu.memory_space<hbm>> -> memref<128xf32, #tpu.memory_space<hbm>>
      %dma_start3A_759 = tpu.memref_slice %arg5[%add3A_746] : memref<16384xf32, #tpu.memory_space<hbm>> -> memref<128xf32, #tpu.memory_space<hbm>>
      %dma_start3A_760 = arith.constant 0 : i32
      %dma_start3A_761 = tpu.memref_slice %arg8[%run_scoped3A_747, %dma_start3A_760] : memref<4x128xf32, #tpu.memory_space<vmem>> -> memref<1x128xf32, #tpu.memory_space<vmem>>
      %dma_start3A_762 = tpu.memref_squeeze %dma_start3A_761 : memref<1x128xf32, #tpu.memory_space<vmem>> -> memref<128xf32, #tpu.memory_space<vmem>>
      tpu.enqueue_dma source(%dma_start3A_762 : memref<128xf32, #tpu.memory_space<vmem>>) target(%dma_start3A_759 : memref<128xf32, #tpu.memory_space<hbm>>) target_semaphore(%run_scoped3A_754 : memref<!tpu.dma_semaphore, #tpu.memory_space<semaphore_mem>>)
      %dma_wait3A_763 = arith.constant 0 : i32
      %dma_wait3A_764 = tpu.memref_slice %arg8[%run_scoped3A_747, %dma_wait3A_763] : memref<4x128xf32, #tpu.memory_space<vmem>> -> memref<1x128xf32, #tpu.memory_space<vmem>>
      %dma_wait3A_765 = tpu.memref_squeeze %dma_wait3A_764 : memref<1x128xf32, #tpu.memory_space<vmem>> -> memref<128xf32, #tpu.memory_space<vmem>>
      %dma_wait3A_766 = tpu.memref_slice %arg5[%add3A_746] : memref<16384xf32, #tpu.memory_space<hbm>> -> memref<128xf32, #tpu.memory_space<hbm>>
      %dma_wait3A_767 = tpu.memref_slice %arg5[%add3A_746] : memref<16384xf32, #tpu.memory_space<hbm>> -> memref<128xf32, #tpu.memory_space<hbm>>
      %dma_wait3A_768 = arith.constant 0 : i32
      %dma_wait3A_769 = tpu.memref_slice %arg8[%run_scoped3A_747, %dma_wait3A_768] : memref<4x128xf32, #tpu.memory_space<vmem>> -> memref<1x128xf32, #tpu.memory_space<vmem>>
      %dma_wait3A_770 = tpu.memref_squeeze %dma_wait3A_769 : memref<1x128xf32, #tpu.memory_space<vmem>> -> memref<128xf32, #tpu.memory_space<vmem>>
      tpu.wait_dma2 semaphore(%run_scoped3A_754 : memref<!tpu.dma_semaphore, #tpu.memory_space<semaphore_mem>>) src(%dma_wait3A_770 : memref<128xf32, #tpu.memory_space<vmem>>) dst(%dma_wait3A_767 : memref<128xf32, #tpu.memory_space<hbm>>)
      tpu.yield
    }) : () -> ()
    %add3A_748 = arith.constant 256 : i32
    %add3A_749 = arith.addi %mul3A_2, %add3A_748 : i32
    %run_scoped3A_750 = arith.constant 2 : i32
    "tpu.region"() ({
      %run_scoped3A_754 = tpu.sem_alloc : memref<!tpu.dma_semaphore, #tpu.memory_space<semaphore_mem>>
      %dma_start3A_755 = arith.constant 0 : i32
      %dma_start3A_756 = tpu.memref_slice %arg8[%run_scoped3A_750, %dma_start3A_755] : memref<4x128xf32, #tpu.memory_space<vmem>> -> memref<1x128xf32, #tpu.memory_space<vmem>>
      %dma_start3A_757 = tpu.memref_squeeze %dma_start3A_756 : memref<1x128xf32, #tpu.memory_space<vmem>> -> memref<128xf32, #tpu.memory_space<vmem>>
      %dma_start3A_758 = tpu.memref_slice %arg5[%add3A_749] : memref<16384xf32, #tpu.memory_space<hbm>> -> memref<128xf32, #tpu.memory_space<hbm>>
      %dma_start3A_759 = tpu.memref_slice %arg5[%add3A_749] : memref<16384xf32, #tpu.memory_space<hbm>> -> memref<128xf32, #tpu.memory_space<hbm>>
      %dma_start3A_760 = arith.constant 0 : i32
      %dma_start3A_761 = tpu.memref_slice %arg8[%run_scoped3A_750, %dma_start3A_760] : memref<4x128xf32, #tpu.memory_space<vmem>> -> memref<1x128xf32, #tpu.memory_space<vmem>>
      %dma_start3A_762 = tpu.memref_squeeze %dma_start3A_761 : memref<1x128xf32, #tpu.memory_space<vmem>> -> memref<128xf32, #tpu.memory_space<vmem>>
      tpu.enqueue_dma source(%dma_start3A_762 : memref<128xf32, #tpu.memory_space<vmem>>) target(%dma_start3A_759 : memref<128xf32, #tpu.memory_space<hbm>>) target_semaphore(%run_scoped3A_754 : memref<!tpu.dma_semaphore, #tpu.memory_space<semaphore_mem>>)
      %dma_wait3A_763 = arith.constant 0 : i32
      %dma_wait3A_764 = tpu.memref_slice %arg8[%run_scoped3A_750, %dma_wait3A_763] : memref<4x128xf32, #tpu.memory_space<vmem>> -> memref<1x128xf32, #tpu.memory_space<vmem>>
      %dma_wait3A_765 = tpu.memref_squeeze %dma_wait3A_764 : memref<1x128xf32, #tpu.memory_space<vmem>> -> memref<128xf32, #tpu.memory_space<vmem>>
      %dma_wait3A_766 = tpu.memref_slice %arg5[%add3A_749] : memref<16384xf32, #tpu.memory_space<hbm>> -> memref<128xf32, #tpu.memory_space<hbm>>
      %dma_wait3A_767 = tpu.memref_slice %arg5[%add3A_749] : memref<16384xf32, #tpu.memory_space<hbm>> -> memref<128xf32, #tpu.memory_space<hbm>>
      %dma_wait3A_768 = arith.constant 0 : i32
      %dma_wait3A_769 = tpu.memref_slice %arg8[%run_scoped3A_750, %dma_wait3A_768] : memref<4x128xf32, #tpu.memory_space<vmem>> -> memref<1x128xf32, #tpu.memory_space<vmem>>
      %dma_wait3A_770 = tpu.memref_squeeze %dma_wait3A_769 : memref<1x128xf32, #tpu.memory_space<vmem>> -> memref<128xf32, #tpu.memory_space<vmem>>
      tpu.wait_dma2 semaphore(%run_scoped3A_754 : memref<!tpu.dma_semaphore, #tpu.memory_space<semaphore_mem>>) src(%dma_wait3A_770 : memref<128xf32, #tpu.memory_space<vmem>>) dst(%dma_wait3A_767 : memref<128xf32, #tpu.memory_space<hbm>>)
      tpu.yield
    }) : () -> ()
    %add3A_751 = arith.constant 384 : i32
    %add3A_752 = arith.addi %mul3A_2, %add3A_751 : i32
    %run_scoped3A_753 = arith.constant 3 : i32
    "tpu.region"() ({
      %run_scoped3A_754 = tpu.sem_alloc : memref<!tpu.dma_semaphore, #tpu.memory_space<semaphore_mem>>
      %dma_start3A_755 = arith.constant 0 : i32
      %dma_start3A_756 = tpu.memref_slice %arg8[%run_scoped3A_753, %dma_start3A_755] : memref<4x128xf32, #tpu.memory_space<vmem>> -> memref<1x128xf32, #tpu.memory_space<vmem>>
      %dma_start3A_757 = tpu.memref_squeeze %dma_start3A_756 : memref<1x128xf32, #tpu.memory_space<vmem>> -> memref<128xf32, #tpu.memory_space<vmem>>
      %dma_start3A_758 = tpu.memref_slice %arg5[%add3A_752] : memref<16384xf32, #tpu.memory_space<hbm>> -> memref<128xf32, #tpu.memory_space<hbm>>
      %dma_start3A_759 = tpu.memref_slice %arg5[%add3A_752] : memref<16384xf32, #tpu.memory_space<hbm>> -> memref<128xf32, #tpu.memory_space<hbm>>
      %dma_start3A_760 = arith.constant 0 : i32
      %dma_start3A_761 = tpu.memref_slice %arg8[%run_scoped3A_753, %dma_start3A_760] : memref<4x128xf32, #tpu.memory_space<vmem>> -> memref<1x128xf32, #tpu.memory_space<vmem>>
      %dma_start3A_762 = tpu.memref_squeeze %dma_start3A_761 : memref<1x128xf32, #tpu.memory_space<vmem>> -> memref<128xf32, #tpu.memory_space<vmem>>
      tpu.enqueue_dma source(%dma_start3A_762 : memref<128xf32, #tpu.memory_space<vmem>>) target(%dma_start3A_759 : memref<128xf32, #tpu.memory_space<hbm>>) target_semaphore(%run_scoped3A_754 : memref<!tpu.dma_semaphore, #tpu.memory_space<semaphore_mem>>)
      %dma_wait3A_763 = arith.constant 0 : i32
      %dma_wait3A_764 = tpu.memref_slice %arg8[%run_scoped3A_753, %dma_wait3A_763] : memref<4x128xf32, #tpu.memory_space<vmem>> -> memref<1x128xf32, #tpu.memory_space<vmem>>
      %dma_wait3A_765 = tpu.memref_squeeze %dma_wait3A_764 : memref<1x128xf32, #tpu.memory_space<vmem>> -> memref<128xf32, #tpu.memory_space<vmem>>
      %dma_wait3A_766 = tpu.memref_slice %arg5[%add3A_752] : memref<16384xf32, #tpu.memory_space<hbm>> -> memref<128xf32, #tpu.memory_space<hbm>>
      %dma_wait3A_767 = tpu.memref_slice %arg5[%add3A_752] : memref<16384xf32, #tpu.memory_space<hbm>> -> memref<128xf32, #tpu.memory_space<hbm>>
      %dma_wait3A_768 = arith.constant 0 : i32
      %dma_wait3A_769 = tpu.memref_slice %arg8[%run_scoped3A_753, %dma_wait3A_768] : memref<4x128xf32, #tpu.memory_space<vmem>> -> memref<1x128xf32, #tpu.memory_space<vmem>>
      %dma_wait3A_770 = tpu.memref_squeeze %dma_wait3A_769 : memref<1x128xf32, #tpu.memory_space<vmem>> -> memref<128xf32, #tpu.memory_space<vmem>>
      tpu.wait_dma2 semaphore(%run_scoped3A_754 : memref<!tpu.dma_semaphore, #tpu.memory_space<semaphore_mem>>) src(%dma_wait3A_770 : memref<128xf32, #tpu.memory_space<vmem>>) dst(%dma_wait3A_767 : memref<128xf32, #tpu.memory_space<hbm>>)
      tpu.yield
    }) : () -> ()
    return
  }
}

module attributes {stable_mosaic.version = 14 : i64} {
  func.func @body(%arg0: i32, %arg1: memref<2x1000x1024xf32, #tpu.memory_space<vmem>>, %arg2: memref<1x1x1024xi32, #tpu.memory_space<vmem>>) attributes {dimension_semantics = [#tpu.dimension_semantics<arbitrary>], iteration_bounds = array<i64: 16>, scalar_prefetch = 0 : i64, scratch_operands = 0 : i64, tpu.core_type = #tpu.core_type<tc>, window_params = [{transform_indices = @transform_0, window_bounds = array<i64: 2, 1000, 1024>}, {transform_indices = @transform_1, window_bounds = array<i64: 1, 1, 1024>}]} {
    %get3A = arith.constant 0 : index
    %get3A_0 = arith.constant 0 : index
    %get3A_1 = arith.constant 0 : index
    %get3A_2 = vector.load %arg1[%get3A, %get3A_0, %get3A_1] : memref<2x1000x1024xf32, #tpu.memory_space<vmem>>, vector<2x1000x1024xf32>
    %reduce_max3A = arith.constant dense<0xFF800000> : vector<2x1024xf32>
    %reduce_max3A_3 = vector.multi_reduction <maximumf>, %get3A_2, %reduce_max3A [1] : vector<2x1000x1024xf32> to vector<2x1024xf32>
    %broadcast_in_dim3A = vector.shape_cast %reduce_max3A_3 : vector<2x1024xf32> to vector<2x1x1024xf32>
    %iota3A = tpu.iota {dimensions = array<i32: 1>} : vector<2x1000x1024xi32>
    %eq3A = vector.broadcast %broadcast_in_dim3A : vector<2x1x1024xf32> to vector<2x1000x1024xf32>
    %eq3A_4 = arith.cmpf oeq, %get3A_2, %eq3A : vector<2x1000x1024xf32>
    %jit3A = arith.constant 1073741824 : i32
    %broadcast_in_dim3A_5 = vector.broadcast %jit3A : i32 to vector<2x1000x1024xi32>
    %select_n3A = arith.select %eq3A_4, %iota3A, %broadcast_in_dim3A_5 : vector<2x1000x1024xi1>, vector<2x1000x1024xi32>
    %reduce_min3A = arith.constant dense<2147483647> : vector<2x1024xi32>
    %reduce_min3A_6 = vector.multi_reduction <minsi>, %select_n3A, %reduce_min3A [1] : vector<2x1000x1024xi32> to vector<2x1024xi32>
    %slice3A = vector.extract_strided_slice %reduce_min3A_6 {offsets = [0, 0], sizes = [1, 1024], strides = [1, 1]} : vector<2x1024xi32> to vector<1x1024xi32>
    %squeeze3A = vector.shape_cast %slice3A : vector<1x1024xi32> to vector<1024xi32>
    %mul3A = arith.constant 4000 : i32
    %mul3A_7 = vector.broadcast %mul3A : i32 to vector<1024xi32>
    %mul3A_8 = arith.muli %squeeze3A, %mul3A_7 : vector<1024xi32>
    %slice3A_9 = vector.extract_strided_slice %reduce_min3A_6 {offsets = [1, 0], sizes = [1, 1024], strides = [1, 1]} : vector<2x1024xi32> to vector<1x1024xi32>
    %squeeze3A_10 = vector.shape_cast %slice3A_9 : vector<1x1024xi32> to vector<1024xi32>
    %add3A = arith.addi %mul3A_8, %squeeze3A_10 : vector<1024xi32>
    %swap3A = arith.constant 0 : index
    %swap3A_11 = arith.constant 0 : index
    %swap3A_12 = arith.constant 0 : index
    %swap3A_13 = vector.load %arg2[%swap3A, %swap3A_11, %swap3A_12] : memref<1x1x1024xi32, #tpu.memory_space<vmem>>, vector<1x1x1024xi32>
    %swap3A_14 = vector.shape_cast %swap3A_13 : vector<1x1x1024xi32> to vector<1024xi32>
    %swap3A_15 = vector.shape_cast %add3A : vector<1024xi32> to vector<1x1x1024xi32>
    tpu.vector_store %arg2[%swap3A, %swap3A_11, %swap3A_12], %swap3A_15 {strides = array<i32>} : memref<1x1x1024xi32, #tpu.memory_space<vmem>>, vector<1x1x1024xi32>,
    return
  }
  func.func @transform_0(%arg0: i32) -> (i32, i32, i32) {
    %c0_i32 = arith.constant 0 : i32
    %c0_i32_0 = arith.constant 0 : i32
    %c0_i32_1 = arith.constant 0 : i32
    return %c0_i32, %c0_i32_0, %arg0 : i32, i32, i32
  }
  func.func @transform_1(%arg0: i32) -> (i32, i32, i32) {
    %c0_i32 = arith.constant 0 : i32
    %c0_i32_0 = arith.constant 0 : i32
    %c0_i32_1 = arith.constant 0 : i32
    return %arg0, %c0_i32, %c0_i32_0 : i32, i32, i32
  }
}

</mosaic_0001>

<sc_bundles>
// kernel: kernel.4.cloned.1.call-start
scs
__scs_entry_jumppad:
0x0: {  	(pc) =	sbr.rel $0x88, $3  }
0x1: {  	(tag) =	ssettag $0x0;
	lr =	simm.s32 $0x1  }
0x2: {  	[smem:$0x3F9E] =	sst lr;
	_ =	strace $0xD0000000  }
0x3: {  	_ = 	snop  }
0x4: {  	_ = 	snop  }
0x5: {  	_ = 	snop  }
0x6: {  	_ = 	snop  }
0x7: {  	_ = 	snop  }
__scs_overlays_trampoline_lowered:
0x8: {  	[smem:$0x3FAD] =	sst s0  }
0x9: {  	[smem:$0x3FAE] =	sst s1  }
0xa: {  	[smem:$0x3FAF] =	sst s2  }
0xb: {  	[smem:$0x3FB0] =	sst s3  }
0xc: {  	[smem:$0x3FB1] =	sst s4  }
0xd: {  	[smem:$0x3FB2] =	sst s5  }
0xe: {  	[smem:$0x3FB3] =	sst s6  }
0xf: {  	[smem:$0x3FB4] =	sst s7  }
0x10: {  	[smem:$0x3FB5] =	sst s8  }
0x11: {  	[smem:$0x3FB6] =	sst s9;
	s0 =	simm.s32 @!p0 $0x0  }
0x12: {  	s1 =	sld [smem:$0x3F9C];
	s0 =	simm.s32 @p0 $0x1  }
0x13: {  	[smem:$0x3FB7] =	sst s0;
	s0 =	simm.s32 @!p1 $0x0  }
0x14: {  	s2 =	sld [smem:$0x3F9B];
	s0 =	simm.s32 @p1 $0x1  }
0x15: {  	[smem:$0x3FB8] =	sst s0;
	s0 =	simm.s32 @!p2 $0x0  }
0x16: {  	s3 =	sld [smem:$0x3FDB];
	s0 =	simm.s32 @p2 $0x1  }
0x17: {  	s4 =	simm.s32 $0x1BF5;
	[smem:$0x3FBA] =	sst s0  }
0x18: {  	s0 =	sld [smem:$0x3F9D];
	_ =	swait.ge [sflag:s4], $0x0  }
0x19: {  	s7 =	sld [smem:$0x3F9E]  }
0x1a: {  	s8 =	sadd.s32 $0xFFFFE003, lr  }
0x1b: {  	s9 =	sadd.s32 $0xFFFFFEF7, lr;
	s5 =	simm.s32 $0xFFFFFFFF;
	p2 =	slt.u32 s8, $0xFFFFF086  }
0x1c: {  	p1 =	slt.u32 s9, $0xF7A;
	s5 =	simm.s32 @!p2 $0x0  }
0x1d: {  	s5 =	simm.s32 @p1 $0x1;
	p0 =	seq.s32 s7, s2  }
0x1e: {  	s7 =	smul.u32 @!p0 $0xF7A, s2;
	p2 =	seq.s32 @!p0 s5, $0x0  }
0x1f: {  	s9 =	smul.u32 $0xF7A, s1;
	s8 =	simm.s32 @!p0 $0x1BF5;
	p2 =	por !p2, p0  }
0x20: {  	[sflag:s8] =	ssyncset.s32 @!p0 $0xFFFFF086;
	s6 =	sadd.s32 @!p0 s3, s7;
	s7 =	simm.s32 @!p0 $0x108  }
0x21: {  	s3 =	sadd.s32 s3, s9;
	s6 =	sadd.s32 @!p0 $0x88, s6;
	s7 =	simm.s32 @p2 $0x1082  }
0x22: {  	[simem:s7], [sflag:s8] =	dma.local @!p0 [hbm:s6], $0xF7A  }
0x23: {  	s9 =	sor.u32 $0xD0000000, s2;
	s6 =	simm.s32 $0x108;
	_ =	swait.ge @!p0 [sflag:s8], $0x0  }
0x24: {  	s3 =	sadd.s32 $0x88, s3;
	s6 =	simm.s32 @!p1 $0x1082;
	[sflag:s4] =	ssyncset.s32 $0xFFFFF086  }
0x25: {  	[simem:s6], [sflag:s4] =	dma.local [hbm:s3], $0xF7A  }
0x26: {  	[smem:$0x3F9E] =	sst s1;
	(tag) =	ssettag s2;
	_ =	strace s9  }
0x27: {  	s1 =	sld [smem:$0x3FAE]  }
0x28: {  	s2 =	sld [smem:$0x3FAF]  }
0x29: {  	s4 =	sld [smem:$0x3FB1]  }
0x2a: {  	p0 =	seq.s32 s5, $0x0;
	s5 =	sld [smem:$0x3FB2]  }
0x2b: {  	s6 =	sld [smem:$0x3FB3]  }
0x2c: {  	s7 =	sld [smem:$0x3FB4]  }
0x2d: {  	s3 =	simm.s32 $0x108;
	s8 =	sld [smem:$0x3FB5]  }
0x2e: {  	s3 =	simm.s32 @!p0 $0x1082;
	s9 =	sld [smem:$0x3FB6]  }
0x2f: {  	lr =	sadd.s32 s0, s3;
	s0 =	sld [smem:$0x3FAD]  }
0x30: {  	s3 =	sld [smem:$0x3FB0]  }
0x31: {  	[smem:$0x3FB9] =	sst s10  }
0x32: {  	s10 =	sld [smem:$0x3FB7];
	_ =	sdelay $0x3  }
0x33: {  	p0 =	seq.s32 s10, $0x1;
	s10 =	sld [smem:$0x3FB9];
	_ =	sdelay $0x3  }
0x34: {  	[smem:$0x3FB9] =	sst s10  }
0x35: {  	s10 =	sld [smem:$0x3FB8];
	_ =	sdelay $0x3  }
0x36: {  	p1 =	seq.s32 s10, $0x1;
	s10 =	sld [smem:$0x3FB9];
	_ =	sdelay $0x3  }
0x37: {  	[smem:$0x3FB9] =	sst s10  }
0x38: {  	s10 =	sld [smem:$0x3FBA]  }
0x39: {  	_ = 	snop;
	(pc) =	sbr.ind lr, $3  }
0x3a: {  	_ = 	snop  }
0x3b: {  	_ = 	snop  }
0x3c: {  	p2 =	seq.s32 s10, $0x1;
	s10 =	sld [smem:$0x3FB9]  }
0x3d: {  	_ =	shalt  }
0x3e: {  	_ =	shalt  }
0x3f: {  	_ =	shalt  }
0x40: {  	_ =	shalt  }
0x41: {  	_ =	shalt  }
0x42: {  	_ =	shalt  }
0x43: {  	_ =	shalt  }
0x44: {  	_ =	shalt  }
0x45: {  	_ =	shalt  }
0x46: {  	_ =	shalt  }
0x47: {  	_ =	shalt  }
0x48: {  	_ =	shalt  }
0x49: {  	_ =	shalt  }
0x4a: {  	_ =	shalt  }
0x4b: {  	_ =	shalt  }
0x4c: {  	_ =	shalt  }
0x4d: {  	_ =	shalt  }
0x4e: {  	_ =	shalt  }
0x4f: {  	_ =	shalt  }
0x50: {  	_ =	shalt  }
0x51: {  	_ =	shalt  }
0x52: {  	_ =	shalt  }
0x53: {  	_ =	shalt  }
0x54: {  	_ =	shalt  }
0x55: {  	_ =	shalt  }
0x56: {  	_ =	shalt  }
0x57: {  	_ =	shalt  }
0x58: {  	_ =	shalt  }
0x59: {  	_ =	shalt  }
0x5a: {  	_ =	shalt  }
0x5b: {  	_ =	shalt  }
0x5c: {  	_ =	shalt  }
0x5d: {  	_ =	shalt  }
0x5e: {  	_ =	shalt  }
0x5f: {  	_ =	shalt  }
0x60: {  	_ =	shalt  }
0x61: {  	_ =	shalt  }
0x62: {  	_ =	shalt  }
0x63: {  	_ =	shalt  }
0x64: {  	_ =	shalt  }
0x65: {  	_ =	shalt  }
0x66: {  	_ =	shalt  }
0x67: {  	_ =	shalt  }
0x68: {  	_ =	shalt  }
0x69: {  	_ =	shalt  }
0x6a: {  	_ =	shalt  }
0x6b: {  	_ =	shalt  }
0x6c: {  	_ =	shalt  }
0x6d: {  	_ =	shalt  }
0x6e: {  	_ =	shalt  }
0x6f: {  	_ =	shalt  }
0x70: {  	_ =	shalt  }
0x71: {  	_ =	shalt  }
0x72: {  	_ =	shalt  }
0x73: {  	_ =	shalt  }
0x74: {  	_ =	shalt  }
0x75: {  	_ =	shalt  }
0x76: {  	_ =	shalt  }
0x77: {  	_ =	shalt  }
0x78: {  	_ =	shalt  }
0x79: {  	_ =	shalt  }
0x7a: {  	_ =	shalt  }
0x7b: {  	_ =	shalt  }
0x7c: {  	_ =	shalt  }
0x7d: {  	_ =	shalt  }
0x7e: {  	_ =	shalt  }
0x7f: {  	_ =	shalt  }
0x80: {  	_ =	shalt  }
0x81: {  	_ =	shalt  }
0x82: {  	_ =	shalt  }
0x83: {  	_ =	shalt  }
0x84: {  	_ =	shalt  }
0x85: {  	_ =	shalt  }
0x86: {  	_ =	shalt  }
0x87: {  	_ =	shalt  }
.Lfunc_end0:
.L_simem_size_0:
called_computation_lowered:
.L_overlay_start_0:
0x88: {  	s2 =	sld [smem:$0x3FD9]  }
0x89: {  	s3 =	sld [smem:$0x3FFE];
	_ =	sdelay $0x1  }
0x8a: {  	s1 =	srdreg.scid  }
0x8b: {  	s0 =	sand.u32 $0x1, s1  }
0x8c: {  	s17 =	sshll.u32 s0, $0xA;
	s2 =	sadd.s32 s3, s2  }
0x8d: {  	s2 =	sadd.s32 s2, s17  }
0x8e: {  	[smem:$0x3FC5] =	sst s2  }
0x8f: {  	_ = 	snop  }
0x90: {  	s2 =	sld [smem:$0x3FC8]  }
0x91: {  	s18 =	sld [smem:$0x3FD0];
	(tm) =	ssettm $0x1  }
0x92: {  	s4 =	sld [smem:$0x3FFB];
	_ =	sdelay $0x3  }
0x93: {  	_ =	strace s4  }
0x94: {  	s4 =	sld [smem:$0x3FFC];
	_ =	sdelay $0x3  }
0x95: {  	_ =	strace s4  }
0x96: {  	s4 =	sld [smem:$0x3FFD];
	_ =	sdelay $0x3  }
0x97: {  	_ =	strace s4  }
0x98: {  	_ =	strace $0x8FFFFFFF  }
0x99: {  	s19 =	sld [smem:$0x3FDB];
	_ =	sdelay $0x1  }
0x9a: {  	s5 =	simm.s32 $_scs_section_size  }
0x9b: {  	s6 =	simm.s32 $_size__tile_overlayer_lowered;
	s7 =	simm.s32 $_tile_overlayer_lowered  }
0x9c: {  	s22 =	simm.s32 $0x1BFF;
	s21 =	sshll.u32 s7, $0x1;
	s4 =	sadd.s32 s5, s19  }
0x9d: {  	s8 =	simm.s32 $0x0;
	s20 =	sshll.u32 s6, $0x1;
	s6 =	sadd.s32 s21, s4  }
0x9e: {  	[timem:s8], [sflag:s22] =	dma.local [hbm:s6], s20  }
0x9f: {  	_ =	swait.ge [sflag:s22], s20  }
0xa0: {  	s5 =	ssub.s32 $0x0, s20;
	[sflag:s22] =	ssyncset.done $0x0  }
0xa1: {  	[sflag:s22] =	ssyncadd.s32 s5;
	_ =	sdelay $0x1  }
0xa2: {  	s23 =	simm.s32 $0x1B8B  }
0xa3: {  	_ =	swait.ge [sflag:s23], $0x1  }
0xa4: {  	[sflag:s23] =	ssyncset.done $0x0  }
0xa5: {  	s25 =	simm.s32 $0x1B8E;
	s24 =	sld [smem:$0x3FFE];
	[sflag:s23] =	ssyncadd.s32 $0xFFFFFFFF  }
0xa6: {  	s26 =	simm.s32 $execute0_lowered;
	[smem:$0x3FD2] =	sst s25  }
0xa7: {  	s6 =	sshll.u32 s26, $0x1;
	_ =	strace $0x80000046;
	[dreg:$0x1] =	wrdreg $0xFFFFFFFF  }
0xa8: {  	s28 =	simm.s32 $_size_execute0_lowered;
	s4 =	sadd.s32 s4, s6;
	[dreg:$0x0] =	wrdreg $0x0  }
0xa9: {  	s6 =	sshll.u32 s28, $0x1;
	[dreg:$0x2] =	wrdreg s4  }
0xaa: {  	[dreg:$0x3] =	wrdreg s6  }
0xab: {  	[dreg:$0x4] =	wrdreg $0xC0  }
0xac: {  	_ =	task [dreg:s8], $0x5FFFF  }
0xad: {  	[dreg:$0x1] =	wrdreg $0xFFFFFFFF  }
0xae: {  	[dreg:$0x0] =	wrdreg $0x60  }
0xaf: {  	[dreg:$0x2] =	wrdreg s24  }
0xb0: {  	[dreg:$0x3] =	wrdreg s2  }
0xb1: {  	[dreg:$0x4] =	wrdreg s18  }
0xb2: {  	[dreg:$0x5] =	wrdreg $0x9  }
0xb3: {  	_ =	task.clear_ibuf [dreg:s8], $0x6FFFF;
	_ =	strace $0x90000046  }
0xb4: {  	s29 =	simm.s32 $0x9;
	_ =	strace $0x80000048  }
0xb5: {  	_ =	swait.ge [sflag:s29], $0x1  }
0xb6: {  	[sflag:s29] =	ssyncadd.s32 $0xFFFFFFFF  }
0xb7: {  	_ =	strace $0x90000048  }
0xb8: {  	_ =	sfence  }
0xb9: {  	s30 =	sld [smem:$0x0];
	_ =	sdelay $0x2  }
0xba: {  	s31 =	sshll.u32 s1, $0xD;
	s1 =	sshrl.u32 s1, $0x2  }
0xbb: {  	s3 =	sand.u32 $0x4000, s31;
	s1 =	sadd.s32 s1, s30  }
0xbc: {  	s0 =	sor.u32 s3, s0;
	s1 =	sshll.u32 s1, $0x11  }
0xbd: {  	s0 =	sor.u32 s1, s0  }
0xbe: {  	s0 =	sadd.s32 $0x8F2B, s0  }
0xbf: {  	[sflag:s0] =	ssyncadd.remote.s32 $0x1  }
0xc0: {  	_ =	sfence.sel $0xFFFF  }
0xc1: {  	[dreg:$0x0] =	wrdreg $0xFFFFFFFF;
	(pc) =	sbr.abs _section_cstart, $3  }
0xc2: {  	[dreg:$0x1] =	wrdreg $0xFFFFFFFF  }
0xc3: {  	_ =	task.clear_ibuf [dreg:s8], $0x2FFFF;
	_ =	strace $0x9FFFFFFF  }
0xc4: {  	(tm) =	ssettm $0x7FFFFFFF  }
0xc5: {  	_ =	shalt  }
tec
execute0_lowered:
.L_overlay_start_1:
0x0: {  	(tag) =	ssettag $0x1  }
0x1: {  	s3 =	rddreg [dreg:$0x0]  }
0x2: {  	s11 =	rddreg [dreg:$0x1]  }
0x3: {  	s15 =	rddreg [dreg:$0x2]  }
0x4: {  	s0 =	rddreg [dreg:$0x3];
	s1 =	simm.s32 $0x0  }
0x5: {  	s4 =	srdreg.scid;
	s2 =	stileid.u32;
	s18 =	simm.s32 $0x200  }
0x6: {  	s19 =	simm.s32 $0x80;
	s20 =	simm.s32 $0x280;
	s21 =	simm.s32 $0x100  }
0x7: {  	s22 =	simm.s32 $0x300;
	s23 =	simm.s32 $0x180;
	s24 =	simm.s32 $0x380  }
0x8: {  	s25 =	simm.s32 $0x400;
	s26 =	simm.s32 $0x480;
	s28 =	simm.s32 $0x500  }
0x9: {  	s29 =	simm.s32 $0x580;
	s30 =	simm.s32 $0x1;
	[smem:$0x7FF] =	sst s1  }
0xa: {  	s10 =	sadd.s32 $0x800, s3;
	s4 =	sand.u32 $0x1, s4;
	s6 =	sshll.u32 s2, $0x7  }
0xb: {  	s3 =	sadd.s32 $0x1000, s3;
	s5 =	ssub.s32 $0x2, s4;
	s4 =	sshll.u32 s4, $0x6  }
0xc: {  	_ =	strace $0x80000047;
	s7 =	sshrl.u32 s5, $0x1;
	s12 =	sor.u32 s4, s6  }
0xd: {  	s16 =	ssub.s32 s5, s7;
	s4 =	sadd.s32 s10, s12;
	s13 =	sor.u32 $0x10, s12  }
0xe: {  	s5 =	sadd.s32 s11, s12;
	s14 =	sor.u32 $0x20, s12;
	s17 =	sor.u32 $0x30, s12  }
0xf: {  	s12 =	sadd.s32 s15, s12;
	s6 =	sadd.s32 s10, s13;
	s7 =	sadd.s32 s11, s13  }
0x10: {  	s8 =	sadd.s32 s10, s14;
	s9 =	sadd.s32 s11, s14;
	s10 =	sadd.s32 s10, s17  }
0x11: {  	s11 =	sadd.s32 s11, s17;
	s13 =	sadd.s32 s15, s13;
	s14 =	sadd.s32 s15, s14  }
0x12: {  	s15 =	sadd.s32 s15, s17;
	s16 =	smax.u32 s16, $0x1;
	s17 =	simm.s32 $0x2  }
.LBB2_1:
0x13: {  	[tilespmem:s1], [sflag:$0x2] =	stream.linear.gather [hbm4b:s4+s1], $0x80, $0x38;
	[tilespmem:$0x600] =	vst v63  }
0x14: {  	_ =	swait.ge [sflag:s17], $0x80  }
0x15: {  	[sflag:s17] =	ssyncset.done $0x0  }
0x16: {  	[sflag:s17] =	ssyncadd.s32 $0xFFFFFF80  }
0x17: {  	[tilespmem:s18], [sflag:$0x2] =	stream.linear.gather [hbm4b:s5+s1], $0x80, $0x38;
	[tilespmem:$0x600] =	vst v63  }
0x18: {  	_ =	swait.ge [sflag:s17], $0x80  }
0x19: {  	[sflag:s17] =	ssyncset.done $0x0  }
0x1a: {  	[sflag:s17] =	ssyncadd.s32 $0xFFFFFF80  }
0x1b: {  	[tilespmem:s19], [sflag:$0x2] =	stream.linear.gather [hbm4b:s6+s1], $0x80, $0x38;
	[tilespmem:$0x600] =	vst v63  }
0x1c: {  	_ =	swait.ge [sflag:s17], $0x80  }
0x1d: {  	[sflag:s17] =	ssyncset.done $0x0  }
0x1e: {  	[sflag:s17] =	ssyncadd.s32 $0xFFFFFF80  }
0x1f: {  	[tilespmem:s20], [sflag:$0x2] =	stream.linear.gather [hbm4b:s7+s1], $0x80, $0x38;
	[tilespmem:$0x600] =	vst v63  }
0x20: {  	_ =	swait.ge [sflag:s17], $0x80  }
0x21: {  	[sflag:s17] =	ssyncset.done $0x0  }
0x22: {  	[sflag:s17] =	ssyncadd.s32 $0xFFFFFF80  }
0x23: {  	[tilespmem:s21], [sflag:$0x2] =	stream.linear.gather [hbm4b:s8+s1], $0x80, $0x38;
	[tilespmem:$0x600] =	vst v63  }
0x24: {  	_ =	swait.ge [sflag:s17], $0x80  }
0x25: {  	[sflag:s17] =	ssyncset.done $0x0  }
0x26: {  	[sflag:s17] =	ssyncadd.s32 $0xFFFFFF80  }
0x27: {  	[tilespmem:s22], [sflag:$0x2] =	stream.linear.gather [hbm4b:s9+s1], $0x80, $0x38;
	[tilespmem:$0x600] =	vst v63  }
0x28: {  	_ =	swait.ge [sflag:s17], $0x80  }
0x29: {  	[sflag:s17] =	ssyncset.done $0x0  }
0x2a: {  	[sflag:s17] =	ssyncadd.s32 $0xFFFFFF80  }
0x2b: {  	[tilespmem:s23], [sflag:$0x2] =	stream.linear.gather [hbm4b:s10+s1], $0x80, $0x38;
	[tilespmem:$0x600] =	vst v63  }
0x2c: {  	_ =	swait.ge [sflag:s17], $0x80  }
0x2d: {  	[sflag:s17] =	ssyncset.done $0x0  }
0x2e: {  	[sflag:s17] =	ssyncadd.s32 $0xFFFFFF80  }
0x2f: {  	[tilespmem:s24], [sflag:$0x2] =	stream.linear.gather [hbm4b:s11+s1], $0x80, $0x38;
	[tilespmem:$0x600] =	vst v63  }
0x30: {  	_ =	swait.ge [sflag:s17], $0x80  }
0x31: {  	[sflag:s17] =	ssyncset.done $0x0  }
0x32: {  	[sflag:s17] =	ssyncadd.s32 $0xFFFFFF80  }
0x33: {  	v0 =	vld [tilespmem:$0x0]  }
0x34: {  	v1 =	vld [tilespmem:$0x200]  }
0x35: {  	v2 =	vld [tilespmem:$0x10]  }
0x36: {  	v3 =	vld [tilespmem:$0x210]  }
0x37: {  	v4 =	vld [tilespmem:$0x20]  }
0x38: {  	v5 =	vld [tilespmem:$0x220]  }
0x39: {  	v6 =	vld [tilespmem:$0x30]  }
0x3a: {  	v7 =	vld [tilespmem:$0x230]  }
0x3b: {  	v8 =	vld [tilespmem:$0x40]  }
0x3c: {  	v9 =	vld [tilespmem:$0x240]  }
0x3d: {  	v10 =	vld [tilespmem:$0x50]  }
0x3e: {  	v11 =	vld [tilespmem:$0x250]  }
0x3f: {  	v12 =	vld [tilespmem:$0x60]  }
0x40: {  	v13 =	vld [tilespmem:$0x260]  }
0x41: {  	v14 =	vld [tilespmem:$0x70]  }
0x42: {  	v15 =	vld [tilespmem:$0x270]  }
0x43: {  	v16 =	vld [tilespmem:$0x80]  }
0x44: {  	v17 =	vld [tilespmem:$0x280]  }
0x45: {  	v18 =	vld [tilespmem:$0x90]  }
0x46: {  	v19 =	vld [tilespmem:$0x290]  }
0x47: {  	v20 =	vld [tilespmem:$0xA0]  }
0x48: {  	v21 =	vld [tilespmem:$0x2A0]  }
0x49: {  	v22 =	vld [tilespmem:$0xB0]  }
0x4a: {  	v23 =	vld [tilespmem:$0x2B0]  }
0x4b: {  	v24 =	vld [tilespmem:$0xC0]  }
0x4c: {  	v25 =	vld [tilespmem:$0x2C0]  }
0x4d: {  	v26 =	vld [tilespmem:$0xD0]  }
0x4e: {  	v27 =	vld [tilespmem:$0x2D0]  }
0x4f: {  	v28 =	vld [tilespmem:$0xE0]  }
0x50: {  	v29 =	vld [tilespmem:$0x2E0]  }
0x51: {  	v30 =	vld [tilespmem:$0xF0]  }
0x52: {  	v31 =	vld [tilespmem:$0x2F0]  }
0x53: {  	v32 =	vld [tilespmem:$0x100]  }
0x54: {  	v33 =	vld [tilespmem:$0x300]  }
0x55: {  	v34 =	vld [tilespmem:$0x110]  }
0x56: {  	v35 =	vld [tilespmem:$0x310];
	v1 =	vmul.u32 $0x3E8, v1  }
0x57: {  	v36 =	vld [tilespmem:$0x120];
	v3 =	vmul.u32 $0x3E8, v3  }
0x58: {  	v38 =	vld [tilespmem:$0x350];
	v54 =	vmul.u32 $0x3E8, v5;
	v0 =	vadd.s32 v0, v1  }
0x59: {  	v41 =	vld [tilespmem:$0x160];
	v56 =	vmul.u32 $0x3E8, v7;
	v55 =	vadd.s32 v2, v3;
	[tilespmem:$0x0] =	vst v0  }
0x5a: {  	v44 =	vld [tilespmem:$0x360];
	v58 =	vmul.u32 $0x3E8, v9;
	v57 =	vadd.s32 v4, v54;
	[tilespmem:$0x10] =	vst v55  }
0x5b: {  	v47 =	vld [tilespmem:$0x170];
	v60 =	vmul.u32 $0x3E8, v11;
	v59 =	vadd.s32 v6, v56;
	[tilespmem:$0x20] =	vst v57  }
0x5c: {  	v50 =	vld [tilespmem:$0x370];
	v62 =	vmul.u32 $0x3E8, v13;
	v61 =	vadd.s32 v8, v58;
	[tilespmem:$0x30] =	vst v59  }
0x5d: {  	v53 =	vld [tilespmem:$0x180];
	v13 =	vmul.u32 $0x3E8, v15;
	v63 =	vadd.s32 v10, v60;
	[tilespmem:$0x40] =	vst v61  }
0x5e: {  	v5 =	vld [tilespmem:$0x320];
	v37 =	vmul.u32 $0x3E8, v17;
	v15 =	vadd.s32 v12, v62;
	[tilespmem:$0x50] =	vst v63  }
0x5f: {  	v7 =	vld [tilespmem:$0x340];
	v40 =	vmul.u32 $0x3E8, v19;
	v39 =	vadd.s32 v14, v13;
	[tilespmem:$0x60] =	vst v15  }
0x60: {  	v43 =	vmul.u32 $0x3E8, v21;
	v49 =	vmul.u32 $0x3E8, v25;
	v25 =	vld [tilespmem:$0x3A0];
	v42 =	vadd.s32 v16, v37;
	[tilespmem:$0x70] =	vst v39  }
0x61: {  	v46 =	vmul.u32 $0x3E8, v23;
	v3 =	vld [tilespmem:$0x130];
	v45 =	vadd.s32 v18, v40;
	[tilespmem:$0x80] =	vst v42  }
0x62: {  	v4 =	vld [tilespmem:$0x330];
	v48 =	vadd.s32 v20, v43;
	[tilespmem:$0x90] =	vst v45  }
0x63: {  	v52 =	vmul.u32 $0x3E8, v27;
	v6 =	vld [tilespmem:$0x140];
	v51 =	vadd.s32 v22, v46;
	[tilespmem:$0xA0] =	vst v48  }
0x64: {  	v21 =	vmul.u32 $0x3E8, v35;
	v8 =	vld [tilespmem:$0x150];
	v54 =	vadd.s32 v24, v49;
	[tilespmem:$0xB0] =	vst v51  }
0x65: {  	v56 =	vld [tilespmem:$0x380];
	v58 =	vmul.u32 $0x3E8, v31;
	[tilespmem:$0xC0] =	vst v54;
	v57 =	vadd.s32 v26, v52  }
0x66: {  	v62 =	vld [tilespmem:$0x390];
	v55 =	vmul.u32 $0x3E8, v29;
	v26 =	vadd.s32 v34, v21;
	[tilespmem:$0xD0] =	vst v57  }
0x67: {  	v22 =	vld [tilespmem:$0x1A0];
	v61 =	vmul.u32 $0x3E8, v33;
	v63 =	vadd.s32 v30, v58;
	[tilespmem:$0x110] =	vst v26  }
0x68: {  	v31 =	vld [tilespmem:$0x3B0];
	v60 =	vadd.s32 v28, v55;
	[tilespmem:$0xF0] =	vst v63;
	v24 =	vmul.u32 $0x3E8, v5  }
0x69: {  	v37 =	vld [tilespmem:$0x3C0];
	v23 =	vadd.s32 v32, v61;
	v30 =	vmul.u32 $0x3E8, v7;
	[tilespmem:$0xE0] =	vst v60  }
0x6a: {  	v40 =	vld [tilespmem:$0x1D0];
	v33 =	vmul.u32 $0x3E8, v38;
	[tilespmem:$0x100] =	vst v23;
	v29 =	vadd.s32 v36, v24  }
0x6b: {  	v43 =	vld [tilespmem:$0x3D0];
	v39 =	vmul.u32 $0x3E8, v50;
	v35 =	vadd.s32 v6, v30;
	[tilespmem:$0x120] =	vst v29  }
0x6c: {  	v59 =	vld [tilespmem:$0x190];
	v27 =	vmul.u32 $0x3E8, v4;
	v38 =	vadd.s32 v8, v33;
	[tilespmem:$0x140] =	vst v35  }
0x6d: {  	v46 =	vld [tilespmem:$0x3E0];
	v36 =	vmul.u32 $0x3E8, v44;
	v44 =	vadd.s32 v47, v39;
	[tilespmem:$0x150] =	vst v38  }
0x6e: {  	v34 =	vld [tilespmem:$0x1C0];
	v42 =	vmul.u32 $0x3E8, v56;
	[tilespmem:$0x170] =	vst v44;
	v32 =	vadd.s32 v3, v27  }
0x6f: {  	v49 =	vld [tilespmem:$0x3F0];
	v45 =	vmul.u32 $0x3E8, v62;
	v41 =	vadd.s32 v41, v36;
	[tilespmem:$0x130] =	vst v32  }
0x70: {  	v28 =	vld [tilespmem:$0x1B0];
	v48 =	vmul.u32 $0x3E8, v25;
	v47 =	vadd.s32 v53, v42;
	[tilespmem:$0x160] =	vst v41  }
0x71: {  	v55 =	vld [tilespmem:$0x1F0];
	v54 =	vmul.u32 $0x3E8, v37;
	v50 =	vadd.s32 v59, v45;
	[tilespmem:$0x180] =	vst v47  }
0x72: {  	v52 =	vld [tilespmem:$0x1E0];
	v57 =	vmul.u32 $0x3E8, v43;
	v53 =	vadd.s32 v22, v48;
	[tilespmem:$0x190] =	vst v50  }
0x73: {  	v51 =	vmul.u32 $0x3E8, v31;
	v58 =	vadd.s32 v34, v54;
	[tilespmem:$0x1A0] =	vst v53  }
0x74: {  	v61 =	vmul.u32 $0x3E8, v49;
	v60 =	vadd.s32 v40, v57;
	[tilespmem:$0x1C0] =	vst v58  }
0x75: {  	v59 =	vmul.u32 $0x3E8, v46;
	v56 =	vadd.s32 v28, v51;
	[tilespmem:$0x1D0] =	vst v60  }
0x76: {  	v63 =	vadd.s32 v55, v61;
	[tilespmem:$0x1B0] =	vst v56  }
0x77: {  	v62 =	vadd.s32 v52, v59;
	[tilespmem:$0x1F0] =	vst v63  }
0x78: {  	[tilespmem:$0x1E0] =	vst v62  }
0x79: {  	[tilespmem:s25], [sflag:$0x1] =	stream.indirect.gather [hbm4b:s3+s19], $0x1, s1, s19, $0xb8;
	[tilespmem:$0x600] =	vst v63  }
0x7a: {  	_ = 	snop  }
0x7b: {  	[tilespmem:s26], [sflag:$0x1] =	stream.indirect.gather [hbm4b:s3+s19], $0x1, s19, s19, $0xb8;
	[tilespmem:$0x600] =	vst v63  }
0x7c: {  	_ = 	snop  }
0x7d: {  	[tilespmem:s28], [sflag:$0x1] =	stream.indirect.gather [hbm4b:s3+s19], $0x1, s21, s19, $0xb8;
	[tilespmem:$0x600] =	vst v63  }
0x7e: {  	_ = 	snop  }
0x7f: {  	[tilespmem:s29], [sflag:$0x1] =	stream.indirect.gather [hbm4b:s3+s19], $0x1, s23, s19, $0xb8;
	[tilespmem:$0x600] =	vst v63  }
0x80: {  	_ =	swait.ge [sflag:s30], $0x80  }
0x81: {  	[sflag:s30] =	ssyncset.done $0x0  }
0x82: {  	[sflag:s30] =	ssyncadd.s32 $0xFFFFFF80  }
0x83: {  	_ =	swait.ge [sflag:s30], $0x80  }
0x84: {  	[sflag:s30] =	ssyncset.done $0x0  }
0x85: {  	[sflag:s30] =	ssyncadd.s32 $0xFFFFFF80  }
0x86: {  	_ =	swait.ge [sflag:s30], $0x80  }
0x87: {  	[sflag:s30] =	ssyncset.done $0x0  }
0x88: {  	[sflag:s30] =	ssyncadd.s32 $0xFFFFFF80  }
0x89: {  	_ =	swait.ge [sflag:s30], $0x80  }
0x8a: {  	[sflag:s30] =	ssyncset.done $0x0  }
0x8b: {  	[sflag:s30] =	ssyncadd.s32 $0xFFFFFF80  }
0x8c: {  	[hbm4b:s12+s1] =	stream.linear.scatter [tilespmem:s25], [sflag:$0x2], $0x80, $0x38;
	[tilespmem:$0x600] =	vst v63  }
0x8d: {  	_ =	swait.ge [sflag:s17], $0x80  }
0x8e: {  	[sflag:s17] =	ssyncset.done $0x0  }
0x8f: {  	[sflag:s17] =	ssyncadd.s32 $0xFFFFFF80  }
0x90: {  	[hbm4b:s13+s1] =	stream.linear.scatter [tilespmem:s26], [sflag:$0x2], $0x80, $0x38;
	[tilespmem:$0x600] =	vst v63  }
0x91: {  	_ =	swait.ge [sflag:s17], $0x80  }
0x92: {  	[sflag:s17] =	ssyncset.done $0x0  }
0x93: {  	[sflag:s17] =	ssyncadd.s32 $0xFFFFFF80  }
0x94: {  	[hbm4b:s14+s1] =	stream.linear.scatter [tilespmem:s28], [sflag:$0x2], $0x80, $0x38;
	[tilespmem:$0x600] =	vst v63  }
0x95: {  	_ =	swait.ge [sflag:s17], $0x80  }
0x96: {  	p0 =	sne.s32 s16, $0x1;
	[sflag:s17] =	ssyncset.done $0x0  }
.Ltmp0:
0x97: {  	[sflag:s17] =	ssyncadd.s32 $0xFFFFFF80;
	(pc) =	sbr.rel @p0 .LBB2_1-.Ltmp0, $4  }
0x98: {  	[hbm4b:s15+s1] =	stream.linear.scatter [tilespmem:s29], [sflag:$0x2], $0x80, $0x38;
	[tilespmem:$0x600] =	vst v63  }
0x99: {  	_ =	swait.ge [sflag:s17], $0x80  }
0x9a: {  	[sflag:s17] =	ssyncset.done $0x0  }
0x9b: {  	s16 =	sadd.s32 $0xFFFFFFFF, s16;
	[sflag:s17] =	ssyncadd.s32 $0xFFFFFF80  }
0x9c: {  	_ =	sfence.sel $0x180000  }
0x9d: {  	[bflag:$0x0] =	sbarrier.arrive $0xFFFF  }
0x9e: {  	p0 =	sne.s32 s2, $0x0;
	_ =	strace $0x90000047  }
0x9f: {  	s0 =	sadd.s32 @!p0 $0x100000, s0;
	[bflag:$0x2] =	sbarrier.arrive $0xFFFF  }
0xa0: {  	[sflag:s0] =	ssyncadd.tile.s32 @!p0 $0x1;
	_ =	shalt  }
.Lfunc_end2:
_tile_overlayer_lowered:
.L_overlay_start_2:
0xa1: {  	(tag) =	ssettag $0x2  }
0xa2: {  	s0 =	rddreg [dreg:$0x0];
	s2 =	stileid.u32  }
0xa3: {  	s1 =	rddreg [dreg:$0x1];
	p0 =	sne.s32 s2, $0x0  }
0xa4: {  	s3 =	rddreg [dreg:$0x2];
	[bflag:$0x3] =	sbarrier.arrive $0xFFFF;
	s2 =	simm.s32 @!p0 $0x1C02  }
0xa5: {  	[timem:s3], [sflag:s2] =	dma.local @!p0 [hbm:s0], s1  }
0xa6: {  	s0 =	simm.s32 @!p0 $0x2  }
0xa7: {  	_ =	swait.ge @!p0 [sflag:s0], s1  }
0xa8: {  	s1 =	ssub.s32 @!p0 $0x0, s1;
	[sflag:s0] =	ssyncset.done @!p0 $0x0  }
0xa9: {  	[sflag:s0] =	ssyncadd.s32 @!p0 s1  }
0xaa: {  	[bflag:$0x3] =	sbarrier.arrive $0xFFFF  }
0xab: {  	_ =	shalt  }

</sc_bundles>
